<compile_context>
chip_gen: v7x
topology: tpu7x:2x2x1
jax: 0.10.2.dev20260603
libtpu: 0.0.44.dev20260713+nightly
codegen_flags: <defaults>
</compile_context>

<pallas_src>
import functools

import jax
import jax.numpy as jnp
from jax import lax
from jax.experimental import pallas as pl
from jax.experimental.pallas import tpu as pltpu
from jax.experimental.pallas import tpu_sc as plsc

K = 64
N = 500000
M = 32
P = 8192

TBLK = 8192
TGRID = (N + TBLK - 1) // TBLK

CHUNK = 128
NCHUNK = P // CHUNK


def _transpose_body(x_ref, o_ref):
    o_ref[...] = x_ref[...].T


def _transpose(mem):
    return pl.pallas_call(
        _transpose_body,
        grid=(TGRID,),
        in_specs=[pl.BlockSpec((K, TBLK), lambda j: (0, j))],
        out_specs=pl.BlockSpec((TBLK, K), lambda j: (j, 0)),
        out_shape=jax.ShapeDtypeStruct((N, K), jnp.float32),
    )(mem)


_sc_mesh = plsc.VectorSubcoreMesh(core_axis_name="c", subcore_axis_name="s")


@functools.partial(
    pl.kernel,
    mesh=_sc_mesh,
    compiler_params=pltpu.CompilerParams(
        needs_layout_passes=False, use_tc_tiling_on_sc=False),
    out_type=(
        jax.ShapeDtypeStruct((M, K), jnp.float32),
        jax.ShapeDtypeStruct((M, 16), jnp.int32),
        jax.ShapeDtypeStruct((M, 16), jnp.float32),
    ),
    scratch_types=[
        pltpu.VMEM((P,), jnp.int32),
        pltpu.VMEM((2, CHUNK, K), jnp.float32),
        pltpu.VMEM((K,), jnp.float32),
        pltpu.VMEM((16,), jnp.int32),
        pltpu.VMEM((16,), jnp.float32),
        pltpu.SemaphoreType.DMA((2,)),
    ],
)
def _associate(memT_hbm, fg_hbm, iouT_hbm, lab_hbm, w_hbm,
               fg_row, rows_buf, iou_st, lab_st, w_st, sems):
    m = lax.axis_index("s") * 2 + lax.axis_index("c")
    pltpu.sync_copy(fg_hbm.at[m], fg_row)

    def gcopy(j, p):
        return pltpu.make_async_copy(
            memT_hbm.at[fg_row.at[pl.ds(j * CHUNK, CHUNK)]],
            rows_buf.at[p],
            sems.at[p],
        )

    gcopy(0, 0).start()

    def chunk_body(j, acc):
        p = lax.rem(j, 2)

        @pl.when(j + 1 < NCHUNK)
        def _prefetch():
            gcopy(j + 1, lax.rem(j + 1, 2)).start()

        gcopy(j, p).wait()

        def row_body(r, acc2):
            a0, a1, a2, a3 = acc2
            a0 = a0 + rows_buf[p, r, 0:16]
            a1 = a1 + rows_buf[p, r, 16:32]
            a2 = a2 + rows_buf[p, r, 32:48]
            a3 = a3 + rows_buf[p, r, 48:64]
            return (a0, a1, a2, a3)

        return lax.fori_loop(0, CHUNK, row_body, acc)

    z = jnp.zeros((16,), jnp.float32)
    acc = lax.fori_loop(0, NCHUNK, chunk_body, (z, z, z, z))

    fifteen = jnp.full((16, 1), 15, jnp.int32)
    _dnums = lax.GatherDimensionNumbers(
        offset_dims=(), collapsed_slice_dims=(0,), start_index_map=(0,))

    def splat_last(v):
        return lax.gather(v, fifteen, _dnums, (1,),
                          mode=lax.GatherScatterMode.PROMISE_IN_BOUNDS)

    iouq = [aq / (jnp.float32(P) + aq + 1e-8) for aq in acc]
    mxv = jnp.maximum(jnp.maximum(iouq[0], iouq[1]),
                      jnp.maximum(iouq[2], iouq[3]))
    mx_v = splat_last(plsc.cummax(mxv))
    iota = lax.iota(jnp.int32, 16)
    big = jnp.full((16,), 1 << 20, jnp.int32)
    cands = [jnp.where(iouq[q] == mx_v, iota + 16 * q, big) for q in range(4)]
    cand = jnp.minimum(jnp.minimum(cands[0], cands[1]),
                       jnp.minimum(cands[2], cands[3]))
    lab_v = -splat_last(plsc.cummax(-cand))

    argv = (mx_v - 0.1) * 50.0
    wv = 1.0 / (1.0 + jnp.exp(-argv))

    for q in range(4):
        iou_st[q * 16:(q + 1) * 16] = iouq[q]
    lab_st[...] = lab_v
    w_st[...] = wv
    pltpu.sync_copy(iou_st, iouT_hbm.at[m])
    pltpu.sync_copy(lab_st, lab_hbm.at[m])
    pltpu.sync_copy(w_st, w_hbm.at[m])


SW = 10000
NSTRIPES = 25
HALF = N // 2
BUFW = K * SW
DUMMY = BUFW
CMASK = (1 << 19) - 1
SENT = CMASK
KCAP = 2 * P + 128


@functools.partial(
    pl.kernel,
    mesh=_sc_mesh,
    compiler_params=pltpu.CompilerParams(
        needs_layout_passes=False, use_tc_tiling_on_sc=False),
    out_type=jax.ShapeDtypeStruct((K * N,), jnp.float32),
    scratch_types=[
        pltpu.VMEM((KCAP,), jnp.int32),
        pltpu.VMEM((KCAP,), jnp.float32),
        pltpu.VMEM((132, 128), jnp.int32),
        pltpu.VMEM((132 * 128,), jnp.float32),
        pltpu.VMEM((P,), jnp.int32),
        pltpu.VMEM((P,), jnp.float32),
        pltpu.VMEM((16,), jnp.int32),
        pltpu.VMEM((16,), jnp.float32),
        pltpu.VMEM((16,), jnp.int32),
        pltpu.VMEM_SHARED((BUFW + 8,), jnp.float32),
        pltpu.SemaphoreType.DMA((4,)),
    ],
)
def _scatter_update(mem_hbm, fg_hbm, val_hbm, lab_hbm, w_hbm, out_hbm,
                    kept_pack, kept_upd, sidx, sval,
                    fg_row, val_row, lab_st, w_st, spill, buf, sems):
    c = lax.axis_index("c")
    s = lax.axis_index("s")
    cbase = c * HALF
    iota = lax.iota(jnp.int32, 16)
    fifteen = jnp.full((16, 1), 15, jnp.int32)
    dnums = lax.GatherDimensionNumbers(
        offset_dims=(), collapsed_slice_dims=(0,), start_index_map=(0,))

    def splat_last(v):
        return lax.gather(v, fifteen, dnums, (1,),
                          mode=lax.GatherScatterMode.PROMISE_IN_BOUNDS)

    cur_v = jnp.zeros((16,), jnp.int32)
    for h in range(2):
        m = 2 * s + h
        cp_fg = pltpu.make_async_copy(fg_hbm.at[pl.ds(m * P, P)], fg_row,
                                      sems.at[0])
        cp_val = pltpu.make_async_copy(val_hbm.at[pl.ds(m * P, P)], val_row,
                                       sems.at[1])
        cp_fg.start()
        cp_val.start()
        pltpu.sync_copy(lab_hbm.at[pl.ds(m * 16, 16)], lab_st)
        pltpu.sync_copy(w_hbm.at[pl.ds(m * 16, 16)], w_st)
        labsh = lax.shift_left(lab_st[...], 19)
        wv = w_st[...]
        cp_fg.wait()
        cp_val.wait()

        def keep_body(j, cur_v, labsh=labsh, wv=wv):
            fgv = fg_row[pl.ds(j * 16, 16)]
            fgc = fgv - cbase
            keep = (fgc >= 0) & (fgc < HALF)
            updv = val_row[pl.ds(j * 16, 16)] * wv
            packv = lax.bitwise_or(labsh, fgc)
            ki = keep.astype(jnp.int32)
            ci = plsc.cumsum(ki)
            pos = cur_v + ci - 1
            plsc.store_scatter(kept_pack, [pos], packv, mask=keep)
            plsc.store_scatter(kept_upd, [pos], updv, mask=keep)
            return cur_v + splat_last(ci)

        cur_v = lax.fori_loop(0, P // 16, keep_body, cur_v)
    cur = cur_v[0]
    kept_pack[pl.ds(cur, 16)] = jnp.full((16,), SENT, jnp.int32)
    nvec = (cur + 15) // 16

    dsplat = jnp.full((16,), DUMMY, jnp.int32)
    zsplat = jnp.zeros((16,), jnp.float32)

    def stripe_body(i, _):
        base = i * SW

        def row_copy(r, out=False):
            krow = 4 * s + r
            b = buf.at[pl.ds(krow * SW, SW)]
            if out:
                a = out_hbm.at[pl.ds(krow * N + cbase + base, SW)]
                return pltpu.make_async_copy(b, a, sems.at[2])
            a = mem_hbm.at[pl.ds(krow * N + cbase + base, SW)]
            return pltpu.make_async_copy(a, b, sems.at[2])

        for r in range(4):
            row_copy(r).start()
        for r in range(4):
            row_copy(r).wait()
        plsc.subcore_barrier()

        def scan_body(j, scur_v):
            packv = kept_pack[pl.ds(j * 16, 16)]
            fgcv = lax.bitwise_and(packv, CMASK)
            labv = lax.shift_right_logical(packv, 19)
            mk = (fgcv >= base) & (fgcv < base + SW)
            offv = labv * SW + (fgcv - base)
            updv = kept_upd[pl.ds(j * 16, 16)]
            mki = mk.astype(jnp.int32)
            ci = plsc.cumsum(mki)
            pos = scur_v + ci - 1
            rowi = lax.shift_right_logical(pos, 7)
            coli = lax.bitwise_and(pos, 127)
            plsc.store_scatter(sidx, [rowi, coli], offv, mask=mk)
            plsc.store_scatter(sval, [pos], updv, mask=mk)
            return scur_v + splat_last(ci)

        scur_v = lax.fori_loop(0, nvec, scan_body, jnp.zeros((16,), jnp.int32))

        for t2 in range(8):
            posp = scur_v + iota + 16 * t2
            rowi = lax.shift_right_logical(posp, 7)
            coli = lax.bitwise_and(posp, 127)
            plsc.store_scatter(sidx, [rowi, coli], dsplat)
            plsc.store_scatter(sval, [posp], zsplat)

        scur = scur_v[0]
        nd = (scur + 127) // 128

        def add_copy(d):
            return pltpu.make_async_copy(sval.at[pl.ds(d * 128, 128)],
                                         buf.at[sidx.at[d]], sems.at[3])

        def dma_fire(d, x):
            add_copy(d).start(add=True)
            return x

        lax.fori_loop(0, nd, dma_fire, jnp.int32(0))

        def dma_drain(d, x):
            add_copy(d).wait()
            return x

        lax.fori_loop(0, nd, dma_drain, jnp.int32(0))
        plsc.subcore_barrier()

        for r in range(4):
            row_copy(r, out=True).start()
        for r in range(4):
            row_copy(r, out=True).wait()
        return _

    lax.fori_loop(0, NSTRIPES, stripe_body, jnp.int32(0))


def kernel(mem, val, fg_idx):
    memT = _transpose(mem)
    iouT, lab16, w16 = _associate(memT, fg_idx)
    iou = iouT.T
    labels = lab16[:, 0]
    out1 = _scatter_update(mem.reshape(-1), fg_idx.reshape(-1),
                           val.reshape(-1), lab16.reshape(-1),
                           w16.reshape(-1))
    return out1.reshape(K, N), iou, labels

# --- scband reference (transcript-rebuilt; emitter-appended) ---
"""Pipeline reference for scband-gaussian-mask-associator-1838246002756 (READ-ONLY COPY).

The authoritative reference and input builder live on the scoring server;
editing this copy changes nothing except your own understanding.
"""

import jax, jax.numpy as jnp
import numpy as np

K = 64        # number of key objects in the database
N = 500000    # number of gaussians in the scene (memory rows' width)
M = 32        # number of foreground masks in the current view
P = 8192      # foreground gaussian indices per mask


def setup_inputs(seed: int = 0) -> dict:
    key = jax.random.key(seed)
    k1, k2, k3 = jax.random.split(key, 3)
    # soft membership memory: keyobject_database as a dense [K, N] score table
    mem = jax.random.uniform(k1, (K, N), dtype=jnp.float32)
    # write values (association strength) for the scatter update
    val = jax.random.normal(k2, (M, P), dtype=jnp.float32)
    # visible foreground gaussian indices per mask
    fg_idx = jax.random.randint(k3, (M, P), 0, N, dtype=jnp.int32)
    return {"mem": mem, "val": val, "fg_idx": fg_idx}


def reference(mem, val, fg_idx):
    # Faithful kernel of GaussianMaskAssociator.associate + update_keyobject_database:
    # 1) gather membership of each mask's foreground gaussians against every key object
    fg = fg_idx.reshape(-1)                                  # [M*P]
    gathered = jnp.take(mem, fg, axis=1).reshape(K, M, P)    # gather -> [K, M, P]
    inter = gathered.sum(axis=-1)                            # intersection score [K, M]
    num_cur = jnp.float32(P)
    # IOU_heighlight mode: inter / (num_cur + inter)
    iou = inter / (num_cur + inter + 1e-8)                   # [K, M]
    labels = jnp.argmax(iou, axis=0)                         # selected key object per mask [M]
    max_iou = jnp.max(iou, axis=0)                           # [M]
    # soft acceptance gate replacing the hard `gs_iou < 0.1 -> new class` branch
    weight = jax.nn.sigmoid((max_iou - 0.1) * 50.0)          # [M]
    # 2) scatter-add the accepted foreground gaussians into the selected object's memory row
    updates = (val * weight[:, None]).reshape(-1)            # [M*P]
    rows = jnp.repeat(labels, P)                             # [M*P]
    updated_mem = mem.at[rows, fg].add(updates)              # scatter-add into [K, N] memory
    return updated_mem, iou, labels

if __name__ == "__main__":
    import jax
    _d = setup_inputs()
    print(jax.jit(kernel)(*tuple(_d.values())))

</pallas_src>

<mosaic_0001>
#map = affine_map<(d0, d1) -> (0)>
module attributes {stable_mosaic.version = 14 : i64} {
  func.func @_scatter_update(%arg0: i32, %arg1: i32, %arg2: memref<32000000xf32, #tpu.memory_space<hbm>>, %arg3: memref<262144xi32, #tpu.memory_space<hbm>>, %arg4: memref<262144xf32, #tpu.memory_space<hbm>>, %arg5: memref<512xi32, #tpu.memory_space<hbm>>, %arg6: memref<512xf32, #tpu.memory_space<hbm>>, %arg7: memref<32000000xf32, #tpu.memory_space<hbm>>, %arg8: memref<16512xi32, #tpu.memory_space<vmem>>, %arg9: memref<16512xf32, #tpu.memory_space<vmem>>, %arg10: memref<132x128xi32, #tpu.memory_space<vmem>>, %arg11: memref<16896xf32, #tpu.memory_space<vmem>>, %arg12: memref<8192xi32, #tpu.memory_space<vmem>>, %arg13: memref<8192xf32, #tpu.memory_space<vmem>>, %arg14: memref<16xi32, #tpu.memory_space<vmem>>, %arg15: memref<16xf32, #tpu.memory_space<vmem>>, %arg16: memref<16xi32, #tpu.memory_space<vmem>>, %arg17: memref<640008xf32, #tpu.memory_space<vmem_shared>>, %arg18: memref<4x!tpu.dma_semaphore, #tpu.memory_space<semaphore_mem>>) attributes {dimension_semantics = [#tpu.dimension_semantics<core_parallel>, #tpu.dimension_semantics<subcore_parallel>], iteration_bounds = array<i64: 2, 16>, scalar_prefetch = 0 : i64, scratch_operands = 11 : i64, tpu.core_type = #tpu.core_type<sc_vector_subcore>, window_params = [{transform_indices = #map}, {transform_indices = #map}, {transform_indices = #map}, {transform_indices = #map}, {transform_indices = #map}, {transform_indices = #map}]} {
    %mul3A = arith.constant 250000 : i32
    %mul3A_0 = arith.muli %arg0, %mul3A : i32
    %iota3A = tpu.iota {dimensions = array<i32: 0>} : vector<16xi32>
    %broadcast_in_dim3A = arith.constant 15 : i32
    %broadcast_in_dim3A_1 = vector.broadcast %broadcast_in_dim3A : i32 to vector<16x1xi32>
    %broadcast_in_dim3A_2 = arith.constant 0 : i32
    %broadcast_in_dim3A_3 = vector.broadcast %broadcast_in_dim3A_2 : i32 to vector<16xi32>
    %mul3A_4 = arith.constant 2 : i32
    %mul3A_5 = arith.muli %mul3A_4, %arg1 : i32
    %add3A = arith.constant 0 : i32
    %add3A_6 = arith.addi %mul3A_5, %add3A : i32
    %mul3A_7 = arith.constant 8192 : i32
    %mul3A_8 = arith.muli %add3A_6, %mul3A_7 : i32
    %mul3A_9 = arith.constant 8192 : i32
    %mul3A_10 = arith.muli %add3A_6, %mul3A_9 : i32
    %dma_start3A = arith.constant 0 : i32
    %dma_start3A_11 = tpu.memref_slice %arg3[%mul3A_8] : memref<262144xi32, #tpu.memory_space<hbm>> -> memref<8192xi32, #tpu.memory_space<hbm>>
    %dma_start3A_12 = tpu.memref_slice %arg18[%dma_start3A] : memref<4x!tpu.dma_semaphore, #tpu.memory_space<semaphore_mem>> -> memref<1x!tpu.dma_semaphore, #tpu.memory_space<semaphore_mem>>
    %dma_start3A_13 = tpu.memref_squeeze %dma_start3A_12 : memref<1x!tpu.dma_semaphore, #tpu.memory_space<semaphore_mem>> -> memref<!tpu.dma_semaphore, #tpu.memory_space<semaphore_mem>>
    %dma_start3A_14 = tpu.memref_slice %arg3[%mul3A_8] : memref<262144xi32, #tpu.memory_space<hbm>> -> memref<8192xi32, #tpu.memory_space<hbm>>
    tpu.enqueue_dma source(%dma_start3A_14 : memref<8192xi32, #tpu.memory_space<hbm>>) target(%arg12 : memref<8192xi32, #tpu.memory_space<vmem>>) target_semaphore(%dma_start3A_13 : memref<!tpu.dma_semaphore, #tpu.memory_space<semaphore_mem>>)
    %dma_start3A_15 = arith.constant 1 : i32
    %dma_start3A_16 = tpu.memref_slice %arg4[%mul3A_10] : memref<262144xf32, #tpu.memory_space<hbm>> -> memref<8192xf32, #tpu.memory_space<hbm>>
    %dma_start3A_17 = tpu.memref_slice %arg18[%dma_start3A_15] : memref<4x!tpu.dma_semaphore, #tpu.memory_space<semaphore_mem>> -> memref<1x!tpu.dma_semaphore, #tpu.memory_space<semaphore_mem>>
    %dma_start3A_18 = tpu.memref_squeeze %dma_start3A_17 : memref<1x!tpu.dma_semaphore, #tpu.memory_space<semaphore_mem>> -> memref<!tpu.dma_semaphore, #tpu.memory_space<semaphore_mem>>
    %dma_start3A_19 = tpu.memref_slice %arg4[%mul3A_10] : memref<262144xf32, #tpu.memory_space<hbm>> -> memref<8192xf32, #tpu.memory_space<hbm>>
    tpu.enqueue_dma source(%dma_start3A_19 : memref<8192xf32, #tpu.memory_space<hbm>>) target(%arg13 : memref<8192xf32, #tpu.memory_space<vmem>>) target_semaphore(%dma_start3A_18 : memref<!tpu.dma_semaphore, #tpu.memory_space<semaphore_mem>>)
    %mul3A_20 = arith.constant 16 : i32
    %mul3A_21 = arith.muli %add3A_6, %mul3A_20 : i32
    "tpu.region"() ({
      %run_scoped3A = tpu.sem_alloc : memref<!tpu.dma_semaphore, #tpu.memory_space<semaphore_mem>>
      %dma_start3A_119 = tpu.memref_slice %arg5[%mul3A_21] : memref<512xi32, #tpu.memory_space<hbm>> -> memref<16xi32, #tpu.memory_space<hbm>>
      %dma_start3A_120 = tpu.memref_slice %arg5[%mul3A_21] : memref<512xi32, #tpu.memory_space<hbm>> -> memref<16xi32, #tpu.memory_space<hbm>>
      tpu.enqueue_dma source(%dma_start3A_120 : memref<16xi32, #tpu.memory_space<hbm>>) target(%arg14 : memref<16xi32, #tpu.memory_space<vmem>>) target_semaphore(%run_scoped3A : memref<!tpu.dma_semaphore, #tpu.memory_space<semaphore_mem>>)
      %dma_wait3A_121 = tpu.memref_slice %arg5[%mul3A_21] : memref<512xi32, #tpu.memory_space<hbm>> -> memref<16xi32, #tpu.memory_space<hbm>>
      %dma_wait3A_122 = tpu.memref_slice %arg5[%mul3A_21] : memref<512xi32, #tpu.memory_space<hbm>> -> memref<16xi32, #tpu.memory_space<hbm>>
      tpu.wait_dma2 semaphore(%run_scoped3A : memref<!tpu.dma_semaphore, #tpu.memory_space<semaphore_mem>>) src(%dma_wait3A_122 : memref<16xi32, #tpu.memory_space<hbm>>) dst(%arg14 : memref<16xi32, #tpu.memory_space<vmem>>)
      tpu.yield
    }) : () -> ()
    %mul3A_22 = arith.constant 16 : i32
    %mul3A_23 = arith.muli %add3A_6, %mul3A_22 : i32
    "tpu.region"() ({
      %run_scoped3A = tpu.sem_alloc : memref<!tpu.dma_semaphore, #tpu.memory_space<semaphore_mem>>
      %dma_start3A_119 = tpu.memref_slice %arg6[%mul3A_23] : memref<512xf32, #tpu.memory_space<hbm>> -> memref<16xf32, #tpu.memory_space<hbm>>
      %dma_start3A_120 = tpu.memref_slice %arg6[%mul3A_23] : memref<512xf32, #tpu.memory_space<hbm>> -> memref<16xf32, #tpu.memory_space<hbm>>
      tpu.enqueue_dma source(%dma_start3A_120 : memref<16xf32, #tpu.memory_space<hbm>>) target(%arg15 : memref<16xf32, #tpu.memory_space<vmem>>) target_semaphore(%run_scoped3A : memref<!tpu.dma_semaphore, #tpu.memory_space<semaphore_mem>>)
      %dma_wait3A_121 = tpu.memref_slice %arg6[%mul3A_23] : memref<512xf32, #tpu.memory_space<hbm>> -> memref<16xf32, #tpu.memory_space<hbm>>
      %dma_wait3A_122 = tpu.memref_slice %arg6[%mul3A_23] : memref<512xf32, #tpu.memory_space<hbm>> -> memref<16xf32, #tpu.memory_space<hbm>>
      tpu.wait_dma2 semaphore(%run_scoped3A : memref<!tpu.dma_semaphore, #tpu.memory_space<semaphore_mem>>) src(%dma_wait3A_122 : memref<16xf32, #tpu.memory_space<hbm>>) dst(%arg15 : memref<16xf32, #tpu.memory_space<vmem>>)
      tpu.yield
    }) : () -> ()
    %get3A = arith.constant 0 : index
    %get3A_24 = tpu.vector_load %arg14[%get3A] {strides = array<i32>} : memref<16xi32, #tpu.memory_space<vmem>>, vector<16xi32>,
    %shift_left3A = arith.constant 19 : i32
    %shift_left3A_25 = vector.broadcast %shift_left3A : i32 to vector<16xi32>
    %shift_left3A_26 = arith.shli %get3A_24, %shift_left3A_25 : vector<16xi32>
    %get3A_27 = arith.constant 0 : index
    %get3A_28 = tpu.vector_load %arg15[%get3A_27] {strides = array<i32>} : memref<16xf32, #tpu.memory_space<vmem>>, vector<16xf32>,
    %dma_wait3A = arith.constant 0 : i32
    %dma_wait3A_29 = tpu.memref_slice %arg3[%mul3A_8] : memref<262144xi32, #tpu.memory_space<hbm>> -> memref<8192xi32, #tpu.memory_space<hbm>>
    %dma_wait3A_30 = tpu.memref_slice %arg18[%dma_wait3A] : memref<4x!tpu.dma_semaphore, #tpu.memory_space<semaphore_mem>> -> memref<1x!tpu.dma_semaphore, #tpu.memory_space<semaphore_mem>>
    %dma_wait3A_31 = tpu.memref_squeeze %dma_wait3A_30 : memref<1x!tpu.dma_semaphore, #tpu.memory_space<semaphore_mem>> -> memref<!tpu.dma_semaphore, #tpu.memory_space<semaphore_mem>>
    %dma_wait3A_32 = tpu.memref_slice %arg3[%mul3A_8] : memref<262144xi32, #tpu.memory_space<hbm>> -> memref<8192xi32, #tpu.memory_space<hbm>>
    tpu.wait_dma2 semaphore(%dma_wait3A_31 : memref<!tpu.dma_semaphore, #tpu.memory_space<semaphore_mem>>) src(%dma_wait3A_32 : memref<8192xi32, #tpu.memory_space<hbm>>) dst(%arg12 : memref<8192xi32, #tpu.memory_space<vmem>>)
    %dma_wait3A_33 = arith.constant 1 : i32
    %dma_wait3A_34 = tpu.memref_slice %arg4[%mul3A_10] : memref<262144xf32, #tpu.memory_space<hbm>> -> memref<8192xf32, #tpu.memory_space<hbm>>
    %dma_wait3A_35 = tpu.memref_slice %arg18[%dma_wait3A_33] : memref<4x!tpu.dma_semaphore, #tpu.memory_space<semaphore_mem>> -> memref<1x!tpu.dma_semaphore, #tpu.memory_space<semaphore_mem>>
    %dma_wait3A_36 = tpu.memref_squeeze %dma_wait3A_35 : memref<1x!tpu.dma_semaphore, #tpu.memory_space<semaphore_mem>> -> memref<!tpu.dma_semaphore, #tpu.memory_space<semaphore_mem>>
    %dma_wait3A_37 = tpu.memref_slice %arg4[%mul3A_10] : memref<262144xf32, #tpu.memory_space<hbm>> -> memref<8192xf32, #tpu.memory_space<hbm>>
    tpu.wait_dma2 semaphore(%dma_wait3A_36 : memref<!tpu.dma_semaphore, #tpu.memory_space<semaphore_mem>>) src(%dma_wait3A_37 : memref<8192xf32, #tpu.memory_space<hbm>>) dst(%arg13 : memref<8192xf32, #tpu.memory_space<vmem>>)
    %scan3A = arith.constant 0 : i32
    %scan3A_38 = arith.constant 512 : i32
    %scan3A_39 = arith.addi %scan3A, %scan3A_38 : i32
    %scan3A_40 = arith.constant 1 : i32
    %scan3A_41 = scf.for %scan3A_119 = %scan3A to %scan3A_39 step %scan3A_40 iter_args(%scan3A_120 = %broadcast_in_dim3A_3) -> (vector<16xi32>)  : i32 {
      %mul3A_121 = arith.constant 16 : i32
      %mul3A_122 = arith.muli %scan3A_119, %mul3A_121 : i32
      %get3A_123 = arith.index_cast %mul3A_122 : i32 to index
      %get3A_124 = tpu.vector_load %arg12[%get3A_123] {strides = array<i32>} : memref<8192xi32, #tpu.memory_space<vmem>>, vector<16xi32>,
      %sub3A_125 = vector.broadcast %mul3A_0 : i32 to vector<16xi32>
      %sub3A_126 = arith.subi %get3A_124, %sub3A_125 : vector<16xi32>
      %ge3A = arith.constant 0 : i32
      %ge3A_127 = vector.broadcast %ge3A : i32 to vector<16xi32>
      %ge3A_128 = arith.cmpi sge, %sub3A_126, %ge3A_127 : vector<16xi32>
      %lt3A = arith.constant 250000 : i32
      %lt3A_129 = vector.broadcast %lt3A : i32 to vector<16xi32>
      %lt3A_130 = arith.cmpi slt, %sub3A_126, %lt3A_129 : vector<16xi32>
      %and3A_131 = arith.andi %ge3A_128, %lt3A_130 : vector<16xi1>
      %mul3A_132 = arith.constant 16 : i32
      %mul3A_133 = arith.muli %scan3A_119, %mul3A_132 : i32
      %get3A_134 = arith.index_cast %mul3A_133 : i32 to index
      %get3A_135 = tpu.vector_load %arg13[%get3A_134] {strides = array<i32>} : memref<8192xf32, #tpu.memory_space<vmem>>, vector<16xf32>,
      %mul3A_136 = arith.mulf %get3A_135, %get3A_28 : vector<16xf32>
      %or3A = arith.ori %shift_left3A_26, %sub3A_126 : vector<16xi32>
      %convert_element_type3A = arith.extui %and3A_131 : vector<16xi1> to vector<16xi32>
      %broadcast_in_dim3A_137 = arith.constant true
      %broadcast_in_dim3A_138 = vector.broadcast %broadcast_in_dim3A_137 : i1 to vector<16xi1>
      %masked_cumsum3A = tpu.scan <sum>, %convert_element_type3A masked %broadcast_in_dim3A_138 : vector<16xi32>, vector<16xi1> -> vector<16xi32>
      %add3A_139 = arith.addi %scan3A_120, %masked_cumsum3A : vector<16xi32>
      %sub3A_140 = arith.constant 1 : i32
      %sub3A_141 = vector.broadcast %sub3A_140 : i32 to vector<16xi32>
      %sub3A_142 = arith.subi %add3A_139, %sub3A_141 : vector<16xi32>
      tpu.vector_store_idx %arg8[%sub3A_142], %or3A masked %and3A_131 : memref<16512xi32, #tpu.memory_space<vmem>>[vector<16xi32>], vector<16xi32>, vector<16xi1>
      tpu.vector_store_idx %arg9[%sub3A_142], %mul3A_136 masked %and3A_131 : memref<16512xf32, #tpu.memory_space<vmem>>[vector<16xi32>], vector<16xf32>, vector<16xi1>
      %gather3A = vector.shape_cast %broadcast_in_dim3A_1 : vector<16x1xi32> to vector<16xi32>
      %gather3A_143 = tpu.dynamic_gather %masked_cumsum3A[%gather3A] in [0] : vector<16xi32>, vector<16xi32> -> vector<16xi32>
      %add3A_144 = arith.addi %scan3A_120, %gather3A_143 : vector<16xi32>
      scf.yield %add3A_144 : vector<16xi32>
    }
    %scan3A_42 = arith.constant 512 : i32
    %mul3A_43 = arith.constant 2 : i32
    %mul3A_44 = arith.muli %mul3A_43, %arg1 : i32
    %add3A_45 = arith.constant 1 : i32
    %add3A_46 = arith.addi %mul3A_44, %add3A_45 : i32
    %mul3A_47 = arith.constant 8192 : i32
    %mul3A_48 = arith.muli %add3A_46, %mul3A_47 : i32
    %mul3A_49 = arith.constant 8192 : i32
    %mul3A_50 = arith.muli %add3A_46, %mul3A_49 : i32
    %dma_start3A_51 = arith.constant 0 : i32
    %dma_start3A_52 = tpu.memref_slice %arg3[%mul3A_48] : memref<262144xi32, #tpu.memory_space<hbm>> -> memref<8192xi32, #tpu.memory_space<hbm>>
    %dma_start3A_53 = tpu.memref_slice %arg18[%dma_start3A_51] : memref<4x!tpu.dma_semaphore, #tpu.memory_space<semaphore_mem>> -> memref<1x!tpu.dma_semaphore, #tpu.memory_space<semaphore_mem>>
    %dma_start3A_54 = tpu.memref_squeeze %dma_start3A_53 : memref<1x!tpu.dma_semaphore, #tpu.memory_space<semaphore_mem>> -> memref<!tpu.dma_semaphore, #tpu.memory_space<semaphore_mem>>
    %dma_start3A_55 = tpu.memref_slice %arg3[%mul3A_48] : memref<262144xi32, #tpu.memory_space<hbm>> -> memref<8192xi32, #tpu.memory_space<hbm>>
    tpu.enqueue_dma source(%dma_start3A_55 : memref<8192xi32, #tpu.memory_space<hbm>>) target(%arg12 : memref<8192xi32, #tpu.memory_space<vmem>>) target_semaphore(%dma_start3A_54 : memref<!tpu.dma_semaphore, #tpu.memory_space<semaphore_mem>>)
    %dma_start3A_56 = arith.constant 1 : i32
    %dma_start3A_57 = tpu.memref_slice %arg4[%mul3A_50] : memref<262144xf32, #tpu.memory_space<hbm>> -> memref<8192xf32, #tpu.memory_space<hbm>>
    %dma_start3A_58 = tpu.memref_slice %arg18[%dma_start3A_56] : memref<4x!tpu.dma_semaphore, #tpu.memory_space<semaphore_mem>> -> memref<1x!tpu.dma_semaphore, #tpu.memory_space<semaphore_mem>>
    %dma_start3A_59 = tpu.memref_squeeze %dma_start3A_58 : memref<1x!tpu.dma_semaphore, #tpu.memory_space<semaphore_mem>> -> memref<!tpu.dma_semaphore, #tpu.memory_space<semaphore_mem>>
    %dma_start3A_60 = tpu.memref_slice %arg4[%mul3A_50] : memref<262144xf32, #tpu.memory_space<hbm>> -> memref<8192xf32, #tpu.memory_space<hbm>>
    tpu.enqueue_dma source(%dma_start3A_60 : memref<8192xf32, #tpu.memory_space<hbm>>) target(%arg13 : memref<8192xf32, #tpu.memory_space<vmem>>) target_semaphore(%dma_start3A_59 : memref<!tpu.dma_semaphore, #tpu.memory_space<semaphore_mem>>)
    %mul3A_61 = arith.constant 16 : i32
    %mul3A_62 = arith.muli %add3A_46, %mul3A_61 : i32
    "tpu.region"() ({
      %run_scoped3A = tpu.sem_alloc : memref<!tpu.dma_semaphore, #tpu.memory_space<semaphore_mem>>
      %dma_start3A_119 = tpu.memref_slice %arg5[%mul3A_62] : memref<512xi32, #tpu.memory_space<hbm>> -> memref<16xi32, #tpu.memory_space<hbm>>
      %dma_start3A_120 = tpu.memref_slice %arg5[%mul3A_62] : memref<512xi32, #tpu.memory_space<hbm>> -> memref<16xi32, #tpu.memory_space<hbm>>
      tpu.enqueue_dma source(%dma_start3A_120 : memref<16xi32, #tpu.memory_space<hbm>>) target(%arg14 : memref<16xi32, #tpu.memory_space<vmem>>) target_semaphore(%run_scoped3A : memref<!tpu.dma_semaphore, #tpu.memory_space<semaphore_mem>>)
      %dma_wait3A_121 = tpu.memref_slice %arg5[%mul3A_62] : memref<512xi32, #tpu.memory_space<hbm>> -> memref<16xi32, #tpu.memory_space<hbm>>
      %dma_wait3A_122 = tpu.memref_slice %arg5[%mul3A_62] : memref<512xi32, #tpu.memory_space<hbm>> -> memref<16xi32, #tpu.memory_space<hbm>>
      tpu.wait_dma2 semaphore(%run_scoped3A : memref<!tpu.dma_semaphore, #tpu.memory_space<semaphore_mem>>) src(%dma_wait3A_122 : memref<16xi32, #tpu.memory_space<hbm>>) dst(%arg14 : memref<16xi32, #tpu.memory_space<vmem>>)
      tpu.yield
    }) : () -> ()
    %mul3A_63 = arith.constant 16 : i32
    %mul3A_64 = arith.muli %add3A_46, %mul3A_63 : i32
    "tpu.region"() ({
      %run_scoped3A = tpu.sem_alloc : memref<!tpu.dma_semaphore, #tpu.memory_space<semaphore_mem>>
      %dma_start3A_119 = tpu.memref_slice %arg6[%mul3A_64] : memref<512xf32, #tpu.memory_space<hbm>> -> memref<16xf32, #tpu.memory_space<hbm>>
      %dma_start3A_120 = tpu.memref_slice %arg6[%mul3A_64] : memref<512xf32, #tpu.memory_space<hbm>> -> memref<16xf32, #tpu.memory_space<hbm>>
      tpu.enqueue_dma source(%dma_start3A_120 : memref<16xf32, #tpu.memory_space<hbm>>) target(%arg15 : memref<16xf32, #tpu.memory_space<vmem>>) target_semaphore(%run_scoped3A : memref<!tpu.dma_semaphore, #tpu.memory_space<semaphore_mem>>)
      %dma_wait3A_121 = tpu.memref_slice %arg6[%mul3A_64] : memref<512xf32, #tpu.memory_space<hbm>> -> memref<16xf32, #tpu.memory_space<hbm>>
      %dma_wait3A_122 = tpu.memref_slice %arg6[%mul3A_64] : memref<512xf32, #tpu.memory_space<hbm>> -> memref<16xf32, #tpu.memory_space<hbm>>
      tpu.wait_dma2 semaphore(%run_scoped3A : memref<!tpu.dma_semaphore, #tpu.memory_space<semaphore_mem>>) src(%dma_wait3A_122 : memref<16xf32, #tpu.memory_space<hbm>>) dst(%arg15 : memref<16xf32, #tpu.memory_space<vmem>>)
      tpu.yield
    }) : () -> ()
    %get3A_65 = arith.constant 0 : index
    %get3A_66 = tpu.vector_load %arg14[%get3A_65] {strides = array<i32>} : memref<16xi32, #tpu.memory_space<vmem>>, vector<16xi32>,
    %shift_left3A_67 = arith.constant 19 : i32
    %shift_left3A_68 = vector.broadcast %shift_left3A_67 : i32 to vector<16xi32>
    %shift_left3A_69 = arith.shli %get3A_66, %shift_left3A_68 : vector<16xi32>
    %get3A_70 = arith.constant 0 : index
    %get3A_71 = tpu.vector_load %arg15[%get3A_70] {strides = array<i32>} : memref<16xf32, #tpu.memory_space<vmem>>, vector<16xf32>,
    %dma_wait3A_72 = arith.constant 0 : i32
    %dma_wait3A_73 = tpu.memref_slice %arg3[%mul3A_48] : memref<262144xi32, #tpu.memory_space<hbm>> -> memref<8192xi32, #tpu.memory_space<hbm>>
    %dma_wait3A_74 = tpu.memref_slice %arg18[%dma_wait3A_72] : memref<4x!tpu.dma_semaphore, #tpu.memory_space<semaphore_mem>> -> memref<1x!tpu.dma_semaphore, #tpu.memory_space<semaphore_mem>>
    %dma_wait3A_75 = tpu.memref_squeeze %dma_wait3A_74 : memref<1x!tpu.dma_semaphore, #tpu.memory_space<semaphore_mem>> -> memref<!tpu.dma_semaphore, #tpu.memory_space<semaphore_mem>>
    %dma_wait3A_76 = tpu.memref_slice %arg3[%mul3A_48] : memref<262144xi32, #tpu.memory_space<hbm>> -> memref<8192xi32, #tpu.memory_space<hbm>>
    tpu.wait_dma2 semaphore(%dma_wait3A_75 : memref<!tpu.dma_semaphore, #tpu.memory_space<semaphore_mem>>) src(%dma_wait3A_76 : memref<8192xi32, #tpu.memory_space<hbm>>) dst(%arg12 : memref<8192xi32, #tpu.memory_space<vmem>>)
    %dma_wait3A_77 = arith.constant 1 : i32
    %dma_wait3A_78 = tpu.memref_slice %arg4[%mul3A_50] : memref<262144xf32, #tpu.memory_space<hbm>> -> memref<8192xf32, #tpu.memory_space<hbm>>
    %dma_wait3A_79 = tpu.memref_slice %arg18[%dma_wait3A_77] : memref<4x!tpu.dma_semaphore, #tpu.memory_space<semaphore_mem>> -> memref<1x!tpu.dma_semaphore, #tpu.memory_space<semaphore_mem>>
    %dma_wait3A_80 = tpu.memref_squeeze %dma_wait3A_79 : memref<1x!tpu.dma_semaphore, #tpu.memory_space<semaphore_mem>> -> memref<!tpu.dma_semaphore, #tpu.memory_space<semaphore_mem>>
    %dma_wait3A_81 = tpu.memref_slice %arg4[%mul3A_50] : memref<262144xf32, #tpu.memory_space<hbm>> -> memref<8192xf32, #tpu.memory_space<hbm>>
    tpu.wait_dma2 semaphore(%dma_wait3A_80 : memref<!tpu.dma_semaphore, #tpu.memory_space<semaphore_mem>>) src(%dma_wait3A_81 : memref<8192xf32, #tpu.memory_space<hbm>>) dst(%arg13 : memref<8192xf32, #tpu.memory_space<vmem>>)
    %scan3A_82 = arith.constant 0 : i32
    %scan3A_83 = arith.constant 512 : i32
    %scan3A_84 = arith.addi %scan3A_82, %scan3A_83 : i32
    %scan3A_85 = arith.constant 1 : i32
    %scan3A_86 = scf.for %scan3A_119 = %scan3A_82 to %scan3A_84 step %scan3A_85 iter_args(%scan3A_120 = %scan3A_41) -> (vector<16xi32>)  : i32 {
      %mul3A_121 = arith.constant 16 : i32
      %mul3A_122 = arith.muli %scan3A_119, %mul3A_121 : i32
      %get3A_123 = arith.index_cast %mul3A_122 : i32 to index
      %get3A_124 = tpu.vector_load %arg12[%get3A_123] {strides = array<i32>} : memref<8192xi32, #tpu.memory_space<vmem>>, vector<16xi32>,
      %sub3A_125 = vector.broadcast %mul3A_0 : i32 to vector<16xi32>
      %sub3A_126 = arith.subi %get3A_124, %sub3A_125 : vector<16xi32>
      %ge3A = arith.constant 0 : i32
      %ge3A_127 = vector.broadcast %ge3A : i32 to vector<16xi32>
      %ge3A_128 = arith.cmpi sge, %sub3A_126, %ge3A_127 : vector<16xi32>
      %lt3A = arith.constant 250000 : i32
      %lt3A_129 = vector.broadcast %lt3A : i32 to vector<16xi32>
      %lt3A_130 = arith.cmpi slt, %sub3A_126, %lt3A_129 : vector<16xi32>
      %and3A_131 = arith.andi %ge3A_128, %lt3A_130 : vector<16xi1>
      %mul3A_132 = arith.constant 16 : i32
      %mul3A_133 = arith.muli %scan3A_119, %mul3A_132 : i32
      %get3A_134 = arith.index_cast %mul3A_133 : i32 to index
      %get3A_135 = tpu.vector_load %arg13[%get3A_134] {strides = array<i32>} : memref<8192xf32, #tpu.memory_space<vmem>>, vector<16xf32>,
      %mul3A_136 = arith.mulf %get3A_135, %get3A_71 : vector<16xf32>
      %or3A = arith.ori %shift_left3A_69, %sub3A_126 : vector<16xi32>
      %convert_element_type3A = arith.extui %and3A_131 : vector<16xi1> to vector<16xi32>
      %broadcast_in_dim3A_137 = arith.constant true
      %broadcast_in_dim3A_138 = vector.broadcast %broadcast_in_dim3A_137 : i1 to vector<16xi1>
      %masked_cumsum3A = tpu.scan <sum>, %convert_element_type3A masked %broadcast_in_dim3A_138 : vector<16xi32>, vector<16xi1> -> vector<16xi32>
      %add3A_139 = arith.addi %scan3A_120, %masked_cumsum3A : vector<16xi32>
      %sub3A_140 = arith.constant 1 : i32
      %sub3A_141 = vector.broadcast %sub3A_140 : i32 to vector<16xi32>
      %sub3A_142 = arith.subi %add3A_139, %sub3A_141 : vector<16xi32>
      tpu.vector_store_idx %arg8[%sub3A_142], %or3A masked %and3A_131 : memref<16512xi32, #tpu.memory_space<vmem>>[vector<16xi32>], vector<16xi32>, vector<16xi1>
      tpu.vector_store_idx %arg9[%sub3A_142], %mul3A_136 masked %and3A_131 : memref<16512xf32, #tpu.memory_space<vmem>>[vector<16xi32>], vector<16xf32>, vector<16xi1>
      %gather3A = vector.shape_cast %broadcast_in_dim3A_1 : vector<16x1xi32> to vector<16xi32>
      %gather3A_143 = tpu.dynamic_gather %masked_cumsum3A[%gather3A] in [0] : vector<16xi32>, vector<16xi32> -> vector<16xi32>
      %add3A_144 = arith.addi %scan3A_120, %gather3A_143 : vector<16xi32>
      scf.yield %add3A_144 : vector<16xi32>
    }
    %scan3A_87 = arith.constant 512 : i32
    %slice3A = vector.extract_strided_slice %scan3A_86 {offsets = [0], sizes = [1], strides = [1]} : vector<16xi32> to vector<1xi32>
    %squeeze3A = vector.extract %slice3A[0] : i32 from vector<1xi32>
    %broadcast_in_dim3A_88 = arith.constant 524287 : i32
    %broadcast_in_dim3A_89 = vector.broadcast %broadcast_in_dim3A_88 : i32 to vector<16xi32>
    %swap3A = arith.index_cast %squeeze3A : i32 to index
    %swap3A_90 = tpu.vector_load %arg8[%swap3A] {strides = array<i32>} : memref<16512xi32, #tpu.memory_space<vmem>>, vector<16xi32>,
    tpu.vector_store %arg8[%swap3A], %broadcast_in_dim3A_89 {strides = array<i32>} : memref<16512xi32, #tpu.memory_space<vmem>>, vector<16xi32>,
    %add3A_91 = arith.constant 15 : i32
    %add3A_92 = arith.addi %squeeze3A, %add3A_91 : i32
    %jit3A = arith.constant 16 : i32
    %div3A = arith.divsi %add3A_92, %jit3A : i32
    %sign3A = arith.constant 0 : i32
    %sign3A_93 = arith.cmpi sgt, %add3A_92, %sign3A : i32
    %sign3A_94 = arith.extui %sign3A_93 : i1 to i32
    %sign3A_95 = arith.constant 0 : i32
    %sign3A_96 = arith.cmpi slt, %add3A_92, %sign3A_95 : i32
    %sign3A_97 = arith.extui %sign3A_96 : i1 to i32
    %sign3A_98 = arith.subi %sign3A_94, %sign3A_97 : i32
    %sign3A_99 = arith.constant 0 : i32
    %sign3A_100 = arith.cmpi sgt, %jit3A, %sign3A_99 : i32
    %sign3A_101 = arith.extui %sign3A_100 : i1 to i32
    %sign3A_102 = arith.constant 0 : i32
    %sign3A_103 = arith.cmpi slt, %jit3A, %sign3A_102 : i32
    %sign3A_104 = arith.extui %sign3A_103 : i1 to i32
    %sign3A_105 = arith.subi %sign3A_101, %sign3A_104 : i32
    %ne3A = arith.cmpi ne, %sign3A_98, %sign3A_105 : i32
    %rem3A = arith.remsi %add3A_92, %jit3A : i32
    %ne3A_106 = arith.constant 0 : i32
    %ne3A_107 = arith.cmpi ne, %rem3A, %ne3A_106 : i32
    %and3A = arith.andi %ne3A, %ne3A_107 : i1
    %sub3A = arith.constant 1 : i32
    %sub3A_108 = arith.subi %div3A, %sub3A : i32
    %select_n3A = arith.select %and3A, %sub3A_108, %div3A : i32
    %broadcast_in_dim3A_109 = arith.constant 640000 : i32
    %broadcast_in_dim3A_110 = vector.broadcast %broadcast_in_dim3A_109 : i32 to vector<16xi32>
    %broadcast_in_dim3A_111 = arith.constant 0.000000e+00 : f32
    %broadcast_in_dim3A_112 = vector.broadcast %broadcast_in_dim3A_111 : f32 to vector<16xf32>
    %scan3A_113 = arith.constant 0 : i32
    %scan3A_114 = arith.constant 0 : i32
    %scan3A_115 = arith.constant 25 : i32
    %scan3A_116 = arith.addi %scan3A_114, %scan3A_115 : i32
    %scan3A_117 = arith.constant 1 : i32
    scf.for %scan3A_119 = %scan3A_114 to %scan3A_116 step %scan3A_117  : i32 {
      %mul3A_120 = arith.constant 10000 : i32
      %mul3A_121 = arith.muli %scan3A_119, %mul3A_120 : i32
      %mul3A_122 = arith.constant 4 : i32
      %mul3A_123 = arith.muli %mul3A_122, %arg1 : i32
      %add3A_124 = arith.constant 0 : i32
      %add3A_125 = arith.addi %mul3A_123, %add3A_124 : i32
      %mul3A_126 = arith.constant 10000 : i32
      %mul3A_127 = arith.muli %add3A_125, %mul3A_126 : i32
      %mul3A_128 = arith.constant 500000 : i32
      %mul3A_129 = arith.muli %add3A_125, %mul3A_128 : i32
      %add3A_130 = arith.addi %mul3A_129, %mul3A_0 : i32
      %add3A_131 = arith.addi %add3A_130, %mul3A_121 : i32
      %dma_start3A_132 = arith.constant 2 : i32
      %dma_start3A_133 = tpu.memref_slice %arg18[%dma_start3A_132] : memref<4x!tpu.dma_semaphore, #tpu.memory_space<semaphore_mem>> -> memref<1x!tpu.dma_semaphore, #tpu.memory_space<semaphore_mem>>
      %dma_start3A_134 = tpu.memref_squeeze %dma_start3A_133 : memref<1x!tpu.dma_semaphore, #tpu.memory_space<semaphore_mem>> -> memref<!tpu.dma_semaphore, #tpu.memory_space<semaphore_mem>>
      %dma_start3A_135 = tpu.memref_slice %arg17[%mul3A_127] : memref<640008xf32, #tpu.memory_space<vmem_shared>> -> memref<10000xf32, #tpu.memory_space<vmem_shared>>
      %dma_start3A_136 = tpu.memref_slice %arg2[%add3A_131] : memref<32000000xf32, #tpu.memory_space<hbm>> -> memref<10000xf32, #tpu.memory_space<hbm>>
      tpu.enqueue_dma source(%dma_start3A_136 : memref<10000xf32, #tpu.memory_space<hbm>>) target(%dma_start3A_135 : memref<10000xf32, #tpu.memory_space<vmem_shared>>) target_semaphore(%dma_start3A_134 : memref<!tpu.dma_semaphore, #tpu.memory_space<semaphore_mem>>)
      %mul3A_137 = arith.constant 4 : i32
      %mul3A_138 = arith.muli %mul3A_137, %arg1 : i32
      %add3A_139 = arith.constant 1 : i32
      %add3A_140 = arith.addi %mul3A_138, %add3A_139 : i32
      %mul3A_141 = arith.constant 10000 : i32
      %mul3A_142 = arith.muli %add3A_140, %mul3A_141 : i32
      %mul3A_143 = arith.constant 500000 : i32
      %mul3A_144 = arith.muli %add3A_140, %mul3A_143 : i32
      %add3A_145 = arith.addi %mul3A_144, %mul3A_0 : i32
      %add3A_146 = arith.addi %add3A_145, %mul3A_121 : i32
      %dma_start3A_147 = arith.constant 2 : i32
      %dma_start3A_148 = tpu.memref_slice %arg18[%dma_start3A_147] : memref<4x!tpu.dma_semaphore, #tpu.memory_space<semaphore_mem>> -> memref<1x!tpu.dma_semaphore, #tpu.memory_space<semaphore_mem>>
      %dma_start3A_149 = tpu.memref_squeeze %dma_start3A_148 : memref<1x!tpu.dma_semaphore, #tpu.memory_space<semaphore_mem>> -> memref<!tpu.dma_semaphore, #tpu.memory_space<semaphore_mem>>
      %dma_start3A_150 = tpu.memref_slice %arg17[%mul3A_142] : memref<640008xf32, #tpu.memory_space<vmem_shared>> -> memref<10000xf32, #tpu.memory_space<vmem_shared>>
      %dma_start3A_151 = tpu.memref_slice %arg2[%add3A_146] : memref<32000000xf32, #tpu.memory_space<hbm>> -> memref<10000xf32, #tpu.memory_space<hbm>>
      tpu.enqueue_dma source(%dma_start3A_151 : memref<10000xf32, #tpu.memory_space<hbm>>) target(%dma_start3A_150 : memref<10000xf32, #tpu.memory_space<vmem_shared>>) target_semaphore(%dma_start3A_149 : memref<!tpu.dma_semaphore, #tpu.memory_space<semaphore_mem>>)
      %mul3A_152 = arith.constant 4 : i32
      %mul3A_153 = arith.muli %mul3A_152, %arg1 : i32
      %add3A_154 = arith.constant 2 : i32
      %add3A_155 = arith.addi %mul3A_153, %add3A_154 : i32
      %mul3A_156 = arith.constant 10000 : i32
      %mul3A_157 = arith.muli %add3A_155, %mul3A_156 : i32
      %mul3A_158 = arith.constant 500000 : i32
      %mul3A_159 = arith.muli %add3A_155, %mul3A_158 : i32
      %add3A_160 = arith.addi %mul3A_159, %mul3A_0 : i32
      %add3A_161 = arith.addi %add3A_160, %mul3A_121 : i32
      %dma_start3A_162 = arith.constant 2 : i32
      %dma_start3A_163 = tpu.memref_slice %arg18[%dma_start3A_162] : memref<4x!tpu.dma_semaphore, #tpu.memory_space<semaphore_mem>> -> memref<1x!tpu.dma_semaphore, #tpu.memory_space<semaphore_mem>>
      %dma_start3A_164 = tpu.memref_squeeze %dma_start3A_163 : memref<1x!tpu.dma_semaphore, #tpu.memory_space<semaphore_mem>> -> memref<!tpu.dma_semaphore, #tpu.memory_space<semaphore_mem>>
      %dma_start3A_165 = tpu.memref_slice %arg17[%mul3A_157] : memref<640008xf32, #tpu.memory_space<vmem_shared>> -> memref<10000xf32, #tpu.memory_space<vmem_shared>>
      %dma_start3A_166 = tpu.memref_slice %arg2[%add3A_161] : memref<32000000xf32, #tpu.memory_space<hbm>> -> memref<10000xf32, #tpu.memory_space<hbm>>
      tpu.enqueue_dma source(%dma_start3A_166 : memref<10000xf32, #tpu.memory_space<hbm>>) target(%dma_start3A_165 : memref<10000xf32, #tpu.memory_space<vmem_shared>>) target_semaphore(%dma_start3A_164 : memref<!tpu.dma_semaphore, #tpu.memory_space<semaphore_mem>>)
      %mul3A_167 = arith.constant 4 : i32
      %mul3A_168 = arith.muli %mul3A_167, %arg1 : i32
      %add3A_169 = arith.constant 3 : i32
      %add3A_170 = arith.addi %mul3A_168, %add3A_169 : i32
      %mul3A_171 = arith.constant 10000 : i32
      %mul3A_172 = arith.muli %add3A_170, %mul3A_171 : i32
      %mul3A_173 = arith.constant 500000 : i32
      %mul3A_174 = arith.muli %add3A_170, %mul3A_173 : i32
      %add3A_175 = arith.addi %mul3A_174, %mul3A_0 : i32
      %add3A_176 = arith.addi %add3A_175, %mul3A_121 : i32
      %dma_start3A_177 = arith.constant 2 : i32
      %dma_start3A_178 = tpu.memref_slice %arg18[%dma_start3A_177] : memref<4x!tpu.dma_semaphore, #tpu.memory_space<semaphore_mem>> -> memref<1x!tpu.dma_semaphore, #tpu.memory_space<semaphore_mem>>
      %dma_start3A_179 = tpu.memref_squeeze %dma_start3A_178 : memref<1x!tpu.dma_semaphore, #tpu.memory_space<semaphore_mem>> -> memref<!tpu.dma_semaphore, #tpu.memory_space<semaphore_mem>>
      %dma_start3A_180 = tpu.memref_slice %arg17[%mul3A_172] : memref<640008xf32, #tpu.memory_space<vmem_shared>> -> memref<10000xf32, #tpu.memory_space<vmem_shared>>
      %dma_start3A_181 = tpu.memref_slice %arg2[%add3A_176] : memref<32000000xf32, #tpu.memory_space<hbm>> -> memref<10000xf32, #tpu.memory_space<hbm>>
      tpu.enqueue_dma source(%dma_start3A_181 : memref<10000xf32, #tpu.memory_space<hbm>>) target(%dma_start3A_180 : memref<10000xf32, #tpu.memory_space<vmem_shared>>) target_semaphore(%dma_start3A_179 : memref<!tpu.dma_semaphore, #tpu.memory_space<semaphore_mem>>)
      %mul3A_182 = arith.constant 4 : i32
      %mul3A_183 = arith.muli %mul3A_182, %arg1 : i32
      %add3A_184 = arith.constant 0 : i32
      %add3A_185 = arith.addi %mul3A_183, %add3A_184 : i32
      %mul3A_186 = arith.constant 10000 : i32
      %mul3A_187 = arith.muli %add3A_185, %mul3A_186 : i32
      %mul3A_188 = arith.constant 500000 : i32
      %mul3A_189 = arith.muli %add3A_185, %mul3A_188 : i32
      %add3A_190 = arith.addi %mul3A_189, %mul3A_0 : i32
      %add3A_191 = arith.addi %add3A_190, %mul3A_121 : i32
      %dma_wait3A_192 = arith.constant 2 : i32
      %dma_wait3A_193 = tpu.memref_slice %arg18[%dma_wait3A_192] : memref<4x!tpu.dma_semaphore, #tpu.memory_space<semaphore_mem>> -> memref<1x!tpu.dma_semaphore, #tpu.memory_space<semaphore_mem>>
      %dma_wait3A_194 = tpu.memref_squeeze %dma_wait3A_193 : memref<1x!tpu.dma_semaphore, #tpu.memory_space<semaphore_mem>> -> memref<!tpu.dma_semaphore, #tpu.memory_space<semaphore_mem>>
      %dma_wait3A_195 = tpu.memref_slice %arg17[%mul3A_187] : memref<640008xf32, #tpu.memory_space<vmem_shared>> -> memref<10000xf32, #tpu.memory_space<vmem_shared>>
      %dma_wait3A_196 = tpu.memref_slice %arg2[%add3A_191] : memref<32000000xf32, #tpu.memory_space<hbm>> -> memref<10000xf32, #tpu.memory_space<hbm>>
      tpu.wait_dma2 semaphore(%dma_wait3A_194 : memref<!tpu.dma_semaphore, #tpu.memory_space<semaphore_mem>>) src(%dma_wait3A_196 : memref<10000xf32, #tpu.memory_space<hbm>>) dst(%dma_wait3A_195 : memref<10000xf32, #tpu.memory_space<vmem_shared>>)
      %mul3A_197 = arith.constant 4 : i32
      %mul3A_198 = arith.muli %mul3A_197, %arg1 : i32
      %add3A_199 = arith.constant 1 : i32
      %add3A_200 = arith.addi %mul3A_198, %add3A_199 : i32
      %mul3A_201 = arith.constant 10000 : i32
      %mul3A_202 = arith.muli %add3A_200, %mul3A_201 : i32
      %mul3A_203 = arith.constant 500000 : i32
      %mul3A_204 = arith.muli %add3A_200, %mul3A_203 : i32
      %add3A_205 = arith.addi %mul3A_204, %mul3A_0 : i32
      %add3A_206 = arith.addi %add3A_205, %mul3A_121 : i32
      %dma_wait3A_207 = arith.constant 2 : i32
      %dma_wait3A_208 = tpu.memref_slice %arg18[%dma_wait3A_207] : memref<4x!tpu.dma_semaphore, #tpu.memory_space<semaphore_mem>> -> memref<1x!tpu.dma_semaphore, #tpu.memory_space<semaphore_mem>>
      %dma_wait3A_209 = tpu.memref_squeeze %dma_wait3A_208 : memref<1x!tpu.dma_semaphore, #tpu.memory_space<semaphore_mem>> -> memref<!tpu.dma_semaphore, #tpu.memory_space<semaphore_mem>>
      %dma_wait3A_210 = tpu.memref_slice %arg17[%mul3A_202] : memref<640008xf32, #tpu.memory_space<vmem_shared>> -> memref<10000xf32, #tpu.memory_space<vmem_shared>>
      %dma_wait3A_211 = tpu.memref_slice %arg2[%add3A_206] : memref<32000000xf32, #tpu.memory_space<hbm>> -> memref<10000xf32, #tpu.memory_space<hbm>>
      tpu.wait_dma2 semaphore(%dma_wait3A_209 : memref<!tpu.dma_semaphore, #tpu.memory_space<semaphore_mem>>) src(%dma_wait3A_211 : memref<10000xf32, #tpu.memory_space<hbm>>) dst(%dma_wait3A_210 : memref<10000xf32, #tpu.memory_space<vmem_shared>>)
      %mul3A_212 = arith.constant 4 : i32
      %mul3A_213 = arith.muli %mul3A_212, %arg1 : i32
      %add3A_214 = arith.constant 2 : i32
      %add3A_215 = arith.addi %mul3A_213, %add3A_214 : i32
      %mul3A_216 = arith.constant 10000 : i32
      %mul3A_217 = arith.muli %add3A_215, %mul3A_216 : i32
      %mul3A_218 = arith.constant 500000 : i32
      %mul3A_219 = arith.muli %add3A_215, %mul3A_218 : i32
      %add3A_220 = arith.addi %mul3A_219, %mul3A_0 : i32
      %add3A_221 = arith.addi %add3A_220, %mul3A_121 : i32
      %dma_wait3A_222 = arith.constant 2 : i32
      %dma_wait3A_223 = tpu.memref_slice %arg18[%dma_wait3A_222] : memref<4x!tpu.dma_semaphore, #tpu.memory_space<semaphore_mem>> -> memref<1x!tpu.dma_semaphore, #tpu.memory_space<semaphore_mem>>
      %dma_wait3A_224 = tpu.memref_squeeze %dma_wait3A_223 : memref<1x!tpu.dma_semaphore, #tpu.memory_space<semaphore_mem>> -> memref<!tpu.dma_semaphore, #tpu.memory_space<semaphore_mem>>
      %dma_wait3A_225 = tpu.memref_slice %arg17[%mul3A_217] : memref<640008xf32, #tpu.memory_space<vmem_shared>> -> memref<10000xf32, #tpu.memory_space<vmem_shared>>
      %dma_wait3A_226 = tpu.memref_slice %arg2[%add3A_221] : memref<32000000xf32, #tpu.memory_space<hbm>> -> memref<10000xf32, #tpu.memory_space<hbm>>
      tpu.wait_dma2 semaphore(%dma_wait3A_224 : memref<!tpu.dma_semaphore, #tpu.memory_space<semaphore_mem>>) src(%dma_wait3A_226 : memref<10000xf32, #tpu.memory_space<hbm>>) dst(%dma_wait3A_225 : memref<10000xf32, #tpu.memory_space<vmem_shared>>)
      %mul3A_227 = arith.constant 4 : i32
      %mul3A_228 = arith.muli %mul3A_227, %arg1 : i32
      %add3A_229 = arith.constant 3 : i32
      %add3A_230 = arith.addi %mul3A_228, %add3A_229 : i32
      %mul3A_231 = arith.constant 10000 : i32
      %mul3A_232 = arith.muli %add3A_230, %mul3A_231 : i32
      %mul3A_233 = arith.constant 500000 : i32
      %mul3A_234 = arith.muli %add3A_230, %mul3A_233 : i32
      %add3A_235 = arith.addi %mul3A_234, %mul3A_0 : i32
      %add3A_236 = arith.addi %add3A_235, %mul3A_121 : i32
      %dma_wait3A_237 = arith.constant 2 : i32
      %dma_wait3A_238 = tpu.memref_slice %arg18[%dma_wait3A_237] : memref<4x!tpu.dma_semaphore, #tpu.memory_space<semaphore_mem>> -> memref<1x!tpu.dma_semaphore, #tpu.memory_space<semaphore_mem>>
      %dma_wait3A_239 = tpu.memref_squeeze %dma_wait3A_238 : memref<1x!tpu.dma_semaphore, #tpu.memory_space<semaphore_mem>> -> memref<!tpu.dma_semaphore, #tpu.memory_space<semaphore_mem>>
      %dma_wait3A_240 = tpu.memref_slice %arg17[%mul3A_232] : memref<640008xf32, #tpu.memory_space<vmem_shared>> -> memref<10000xf32, #tpu.memory_space<vmem_shared>>
      %dma_wait3A_241 = tpu.memref_slice %arg2[%add3A_236] : memref<32000000xf32, #tpu.memory_space<hbm>> -> memref<10000xf32, #tpu.memory_space<hbm>>
      tpu.wait_dma2 semaphore(%dma_wait3A_239 : memref<!tpu.dma_semaphore, #tpu.memory_space<semaphore_mem>>) src(%dma_wait3A_241 : memref<10000xf32, #tpu.memory_space<hbm>>) dst(%dma_wait3A_240 : memref<10000xf32, #tpu.memory_space<vmem_shared>>)
      %barrier3A = arith.constant 0 : index
      tpu.barrier barrier_id(%barrier3A)
      %broadcast_in_dim3A_242 = arith.constant 0 : i32
      %broadcast_in_dim3A_243 = vector.broadcast %broadcast_in_dim3A_242 : i32 to vector<16xi32>
      %while3A = arith.constant 0 : i32
      %while3A_244 = arith.subi %select_n3A, %while3A : i32
      %while3A_245 = arith.addi %while3A, %while3A_244 : i32
      %while3A_246 = arith.constant 1 : i32
      %while3A_247 = arith.divsi %while3A_244, %while3A_246 : i32
      %while3A_248 = arith.muli %while3A_247, %while3A_246 : i32
      %while3A_249 = arith.addi %while3A, %while3A_248 : i32
      %while3A_250 = arith.constant 1 : i32
      %while3A_251 = scf.for %while3A_502 = %while3A to %while3A_249 step %while3A_250 iter_args(%while3A_503 = %broadcast_in_dim3A_243) -> (vector<16xi32>)  : i32 {
        %mul3A_504 = arith.constant 16 : i32
        %mul3A_505 = arith.muli %while3A_502, %mul3A_504 : i32
        %get3A_506 = arith.index_cast %mul3A_505 : i32 to index
        %get3A_507 = tpu.vector_load %arg8[%get3A_506] {strides = array<i32>} : memref<16512xi32, #tpu.memory_space<vmem>>, vector<16xi32>,
        %and3A_508 = arith.constant 524287 : i32
        %and3A_509 = vector.broadcast %and3A_508 : i32 to vector<16xi32>
        %and3A_510 = arith.andi %get3A_507, %and3A_509 : vector<16xi32>
        %shift_right_logical3A_511 = arith.constant 19 : i32
        %shift_right_logical3A_512 = vector.broadcast %shift_right_logical3A_511 : i32 to vector<16xi32>
        %shift_right_logical3A_513 = arith.shrui %get3A_507, %shift_right_logical3A_512 : vector<16xi32>
        %ge3A = vector.broadcast %mul3A_121 : i32 to vector<16xi32>
        %ge3A_514 = arith.cmpi sge, %and3A_510, %ge3A : vector<16xi32>
        %add3A_515 = arith.constant 10000 : i32
        %add3A_516 = arith.addi %mul3A_121, %add3A_515 : i32
        %lt3A = vector.broadcast %add3A_516 : i32 to vector<16xi32>
        %lt3A_517 = arith.cmpi slt, %and3A_510, %lt3A : vector<16xi32>
        %and3A_518 = arith.andi %ge3A_514, %lt3A_517 : vector<16xi1>
        %mul3A_519 = arith.constant 10000 : i32
        %mul3A_520 = vector.broadcast %mul3A_519 : i32 to vector<16xi32>
        %mul3A_521 = arith.muli %shift_right_logical3A_513, %mul3A_520 : vector<16xi32>
        %sub3A_522 = vector.broadcast %mul3A_121 : i32 to vector<16xi32>
        %sub3A_523 = arith.subi %and3A_510, %sub3A_522 : vector<16xi32>
        %add3A_524 = arith.addi %mul3A_521, %sub3A_523 : vector<16xi32>
        %mul3A_525 = arith.constant 16 : i32
        %mul3A_526 = arith.muli %while3A_502, %mul3A_525 : i32
        %get3A_527 = arith.index_cast %mul3A_526 : i32 to index
        %get3A_528 = tpu.vector_load %arg9[%get3A_527] {strides = array<i32>} : memref<16512xf32, #tpu.memory_space<vmem>>, vector<16xf32>,
        %convert_element_type3A = arith.extui %and3A_518 : vector<16xi1> to vector<16xi32>
        %broadcast_in_dim3A_529 = arith.constant true
        %broadcast_in_dim3A_530 = vector.broadcast %broadcast_in_dim3A_529 : i1 to vector<16xi1>
        %masked_cumsum3A = tpu.scan <sum>, %convert_element_type3A masked %broadcast_in_dim3A_530 : vector<16xi32>, vector<16xi1> -> vector<16xi32>
        %add3A_531 = arith.addi %while3A_503, %masked_cumsum3A : vector<16xi32>
        %sub3A_532 = arith.constant 1 : i32
        %sub3A_533 = vector.broadcast %sub3A_532 : i32 to vector<16xi32>
        %sub3A_534 = arith.subi %add3A_531, %sub3A_533 : vector<16xi32>
        %shift_right_logical3A_535 = arith.constant 7 : i32
        %shift_right_logical3A_536 = vector.broadcast %shift_right_logical3A_535 : i32 to vector<16xi32>
        %shift_right_logical3A_537 = arith.shrui %sub3A_534, %shift_right_logical3A_536 : vector<16xi32>
        %and3A_538 = arith.constant 127 : i32
        %and3A_539 = vector.broadcast %and3A_538 : i32 to vector<16xi32>
        %and3A_540 = arith.andi %sub3A_534, %and3A_539 : vector<16xi32>
        tpu.vector_store_idx %arg10[%shift_right_logical3A_537, %and3A_540], %add3A_524 masked %and3A_518 : memref<132x128xi32, #tpu.memory_space<vmem>>[vector<16xi32>, vector<16xi32>], vector<16xi32>, vector<16xi1>
        tpu.vector_store_idx %arg11[%sub3A_534], %get3A_528 masked %and3A_518 : memref<16896xf32, #tpu.memory_space<vmem>>[vector<16xi32>], vector<16xf32>, vector<16xi1>
        %gather3A = vector.shape_cast %broadcast_in_dim3A_1 : vector<16x1xi32> to vector<16xi32>
        %gather3A_541 = tpu.dynamic_gather %masked_cumsum3A[%gather3A] in [0] : vector<16xi32>, vector<16xi32> -> vector<16xi32>
        %add3A_542 = arith.addi %while3A_503, %gather3A_541 : vector<16xi32>
        scf.yield %add3A_542 : vector<16xi32>
      }
      %while3A_252 = arith.constant 1 : i32
      %while3A_253 = scf.for %while3A_502 = %while3A_249 to %while3A_245 step %while3A_252 iter_args(%while3A_503 = %while3A_251) -> (vector<16xi32>)  : i32 {
        %mul3A_504 = arith.constant 16 : i32
        %mul3A_505 = arith.muli %while3A_502, %mul3A_504 : i32
        %get3A_506 = arith.index_cast %mul3A_505 : i32 to index
        %get3A_507 = tpu.vector_load %arg8[%get3A_506] {strides = array<i32>} : memref<16512xi32, #tpu.memory_space<vmem>>, vector<16xi32>,
        %and3A_508 = arith.constant 524287 : i32
        %and3A_509 = vector.broadcast %and3A_508 : i32 to vector<16xi32>
        %and3A_510 = arith.andi %get3A_507, %and3A_509 : vector<16xi32>
        %shift_right_logical3A_511 = arith.constant 19 : i32
        %shift_right_logical3A_512 = vector.broadcast %shift_right_logical3A_511 : i32 to vector<16xi32>
        %shift_right_logical3A_513 = arith.shrui %get3A_507, %shift_right_logical3A_512 : vector<16xi32>
        %ge3A = vector.broadcast %mul3A_121 : i32 to vector<16xi32>
        %ge3A_514 = arith.cmpi sge, %and3A_510, %ge3A : vector<16xi32>
        %add3A_515 = arith.constant 10000 : i32
        %add3A_516 = arith.addi %mul3A_121, %add3A_515 : i32
        %lt3A = vector.broadcast %add3A_516 : i32 to vector<16xi32>
        %lt3A_517 = arith.cmpi slt, %and3A_510, %lt3A : vector<16xi32>
        %and3A_518 = arith.andi %ge3A_514, %lt3A_517 : vector<16xi1>
        %mul3A_519 = arith.constant 10000 : i32
        %mul3A_520 = vector.broadcast %mul3A_519 : i32 to vector<16xi32>
        %mul3A_521 = arith.muli %shift_right_logical3A_513, %mul3A_520 : vector<16xi32>
        %sub3A_522 = vector.broadcast %mul3A_121 : i32 to vector<16xi32>
        %sub3A_523 = arith.subi %and3A_510, %sub3A_522 : vector<16xi32>
        %add3A_524 = arith.addi %mul3A_521, %sub3A_523 : vector<16xi32>
        %mul3A_525 = arith.constant 16 : i32
        %mul3A_526 = arith.muli %while3A_502, %mul3A_525 : i32
        %get3A_527 = arith.index_cast %mul3A_526 : i32 to index
        %get3A_528 = tpu.vector_load %arg9[%get3A_527] {strides = array<i32>} : memref<16512xf32, #tpu.memory_space<vmem>>, vector<16xf32>,
        %convert_element_type3A = arith.extui %and3A_518 : vector<16xi1> to vector<16xi32>
        %broadcast_in_dim3A_529 = arith.constant true
        %broadcast_in_dim3A_530 = vector.broadcast %broadcast_in_dim3A_529 : i1 to vector<16xi1>
        %masked_cumsum3A = tpu.scan <sum>, %convert_element_type3A masked %broadcast_in_dim3A_530 : vector<16xi32>, vector<16xi1> -> vector<16xi32>
        %add3A_531 = arith.addi %while3A_503, %masked_cumsum3A : vector<16xi32>
        %sub3A_532 = arith.constant 1 : i32
        %sub3A_533 = vector.broadcast %sub3A_532 : i32 to vector<16xi32>
        %sub3A_534 = arith.subi %add3A_531, %sub3A_533 : vector<16xi32>
        %shift_right_logical3A_535 = arith.constant 7 : i32
        %shift_right_logical3A_536 = vector.broadcast %shift_right_logical3A_535 : i32 to vector<16xi32>
        %shift_right_logical3A_537 = arith.shrui %sub3A_534, %shift_right_logical3A_536 : vector<16xi32>
        %and3A_538 = arith.constant 127 : i32
        %and3A_539 = vector.broadcast %and3A_538 : i32 to vector<16xi32>
        %and3A_540 = arith.andi %sub3A_534, %and3A_539 : vector<16xi32>
        tpu.vector_store_idx %arg10[%shift_right_logical3A_537, %and3A_540], %add3A_524 masked %and3A_518 : memref<132x128xi32, #tpu.memory_space<vmem>>[vector<16xi32>, vector<16xi32>], vector<16xi32>, vector<16xi1>
        tpu.vector_store_idx %arg11[%sub3A_534], %get3A_528 masked %and3A_518 : memref<16896xf32, #tpu.memory_space<vmem>>[vector<16xi32>], vector<16xf32>, vector<16xi1>
        %gather3A = vector.shape_cast %broadcast_in_dim3A_1 : vector<16x1xi32> to vector<16xi32>
        %gather3A_541 = tpu.dynamic_gather %masked_cumsum3A[%gather3A] in [0] : vector<16xi32>, vector<16xi32> -> vector<16xi32>
        %add3A_542 = arith.addi %while3A_503, %gather3A_541 : vector<16xi32>
        scf.yield %add3A_542 : vector<16xi32>
      }
      %add3A_254 = arith.addi %while3A_253, %iota3A : vector<16xi32>
      %add3A_255 = arith.constant 0 : i32
      %add3A_256 = vector.broadcast %add3A_255 : i32 to vector<16xi32>
      %add3A_257 = arith.addi %add3A_254, %add3A_256 : vector<16xi32>
      %shift_right_logical3A = arith.constant 7 : i32
      %shift_right_logical3A_258 = vector.broadcast %shift_right_logical3A : i32 to vector<16xi32>
      %shift_right_logical3A_259 = arith.shrui %add3A_257, %shift_right_logical3A_258 : vector<16xi32>
      %and3A_260 = arith.constant 127 : i32
      %and3A_261 = vector.broadcast %and3A_260 : i32 to vector<16xi32>
      %and3A_262 = arith.andi %add3A_257, %and3A_261 : vector<16xi32>
      tpu.vector_store_idx %arg10[%shift_right_logical3A_259, %and3A_262], %broadcast_in_dim3A_110 : memref<132x128xi32, #tpu.memory_space<vmem>>[vector<16xi32>, vector<16xi32>], vector<16xi32>,
      tpu.vector_store_idx %arg11[%add3A_257], %broadcast_in_dim3A_112 : memref<16896xf32, #tpu.memory_space<vmem>>[vector<16xi32>], vector<16xf32>,
      %add3A_263 = arith.addi %while3A_253, %iota3A : vector<16xi32>
      %add3A_264 = arith.constant 16 : i32
      %add3A_265 = vector.broadcast %add3A_264 : i32 to vector<16xi32>
      %add3A_266 = arith.addi %add3A_263, %add3A_265 : vector<16xi32>
      %shift_right_logical3A_267 = arith.constant 7 : i32
      %shift_right_logical3A_268 = vector.broadcast %shift_right_logical3A_267 : i32 to vector<16xi32>
      %shift_right_logical3A_269 = arith.shrui %add3A_266, %shift_right_logical3A_268 : vector<16xi32>
      %and3A_270 = arith.constant 127 : i32
      %and3A_271 = vector.broadcast %and3A_270 : i32 to vector<16xi32>
      %and3A_272 = arith.andi %add3A_266, %and3A_271 : vector<16xi32>
      tpu.vector_store_idx %arg10[%shift_right_logical3A_269, %and3A_272], %broadcast_in_dim3A_110 : memref<132x128xi32, #tpu.memory_space<vmem>>[vector<16xi32>, vector<16xi32>], vector<16xi32>,
      tpu.vector_store_idx %arg11[%add3A_266], %broadcast_in_dim3A_112 : memref<16896xf32, #tpu.memory_space<vmem>>[vector<16xi32>], vector<16xf32>,
      %add3A_273 = arith.addi %while3A_253, %iota3A : vector<16xi32>
      %add3A_274 = arith.constant 32 : i32
      %add3A_275 = vector.broadcast %add3A_274 : i32 to vector<16xi32>
      %add3A_276 = arith.addi %add3A_273, %add3A_275 : vector<16xi32>
      %shift_right_logical3A_277 = arith.constant 7 : i32
      %shift_right_logical3A_278 = vector.broadcast %shift_right_logical3A_277 : i32 to vector<16xi32>
      %shift_right_logical3A_279 = arith.shrui %add3A_276, %shift_right_logical3A_278 : vector<16xi32>
      %and3A_280 = arith.constant 127 : i32
      %and3A_281 = vector.broadcast %and3A_280 : i32 to vector<16xi32>
      %and3A_282 = arith.andi %add3A_276, %and3A_281 : vector<16xi32>
      tpu.vector_store_idx %arg10[%shift_right_logical3A_279, %and3A_282], %broadcast_in_dim3A_110 : memref<132x128xi32, #tpu.memory_space<vmem>>[vector<16xi32>, vector<16xi32>], vector<16xi32>,
      tpu.vector_store_idx %arg11[%add3A_276], %broadcast_in_dim3A_112 : memref<16896xf32, #tpu.memory_space<vmem>>[vector<16xi32>], vector<16xf32>,
      %add3A_283 = arith.addi %while3A_253, %iota3A : vector<16xi32>
      %add3A_284 = arith.constant 48 : i32
      %add3A_285 = vector.broadcast %add3A_284 : i32 to vector<16xi32>
      %add3A_286 = arith.addi %add3A_283, %add3A_285 : vector<16xi32>
      %shift_right_logical3A_287 = arith.constant 7 : i32
      %shift_right_logical3A_288 = vector.broadcast %shift_right_logical3A_287 : i32 to vector<16xi32>
      %shift_right_logical3A_289 = arith.shrui %add3A_286, %shift_right_logical3A_288 : vector<16xi32>
      %and3A_290 = arith.constant 127 : i32
      %and3A_291 = vector.broadcast %and3A_290 : i32 to vector<16xi32>
      %and3A_292 = arith.andi %add3A_286, %and3A_291 : vector<16xi32>
      tpu.vector_store_idx %arg10[%shift_right_logical3A_289, %and3A_292], %broadcast_in_dim3A_110 : memref<132x128xi32, #tpu.memory_space<vmem>>[vector<16xi32>, vector<16xi32>], vector<16xi32>,
      tpu.vector_store_idx %arg11[%add3A_286], %broadcast_in_dim3A_112 : memref<16896xf32, #tpu.memory_space<vmem>>[vector<16xi32>], vector<16xf32>,
      %add3A_293 = arith.addi %while3A_253, %iota3A : vector<16xi32>
      %add3A_294 = arith.constant 64 : i32
      %add3A_295 = vector.broadcast %add3A_294 : i32 to vector<16xi32>
      %add3A_296 = arith.addi %add3A_293, %add3A_295 : vector<16xi32>
      %shift_right_logical3A_297 = arith.constant 7 : i32
      %shift_right_logical3A_298 = vector.broadcast %shift_right_logical3A_297 : i32 to vector<16xi32>
      %shift_right_logical3A_299 = arith.shrui %add3A_296, %shift_right_logical3A_298 : vector<16xi32>
      %and3A_300 = arith.constant 127 : i32
      %and3A_301 = vector.broadcast %and3A_300 : i32 to vector<16xi32>
      %and3A_302 = arith.andi %add3A_296, %and3A_301 : vector<16xi32>
      tpu.vector_store_idx %arg10[%shift_right_logical3A_299, %and3A_302], %broadcast_in_dim3A_110 : memref<132x128xi32, #tpu.memory_space<vmem>>[vector<16xi32>, vector<16xi32>], vector<16xi32>,
      tpu.vector_store_idx %arg11[%add3A_296], %broadcast_in_dim3A_112 : memref<16896xf32, #tpu.memory_space<vmem>>[vector<16xi32>], vector<16xf32>,
      %add3A_303 = arith.addi %while3A_253, %iota3A : vector<16xi32>
      %add3A_304 = arith.constant 80 : i32
      %add3A_305 = vector.broadcast %add3A_304 : i32 to vector<16xi32>
      %add3A_306 = arith.addi %add3A_303, %add3A_305 : vector<16xi32>
      %shift_right_logical3A_307 = arith.constant 7 : i32
      %shift_right_logical3A_308 = vector.broadcast %shift_right_logical3A_307 : i32 to vector<16xi32>
      %shift_right_logical3A_309 = arith.shrui %add3A_306, %shift_right_logical3A_308 : vector<16xi32>
      %and3A_310 = arith.constant 127 : i32
      %and3A_311 = vector.broadcast %and3A_310 : i32 to vector<16xi32>
      %and3A_312 = arith.andi %add3A_306, %and3A_311 : vector<16xi32>
      tpu.vector_store_idx %arg10[%shift_right_logical3A_309, %and3A_312], %broadcast_in_dim3A_110 : memref<132x128xi32, #tpu.memory_space<vmem>>[vector<16xi32>, vector<16xi32>], vector<16xi32>,
      tpu.vector_store_idx %arg11[%add3A_306], %broadcast_in_dim3A_112 : memref<16896xf32, #tpu.memory_space<vmem>>[vector<16xi32>], vector<16xf32>,
      %add3A_313 = arith.addi %while3A_253, %iota3A : vector<16xi32>
      %add3A_314 = arith.constant 96 : i32
      %add3A_315 = vector.broadcast %add3A_314 : i32 to vector<16xi32>
      %add3A_316 = arith.addi %add3A_313, %add3A_315 : vector<16xi32>
      %shift_right_logical3A_317 = arith.constant 7 : i32
      %shift_right_logical3A_318 = vector.broadcast %shift_right_logical3A_317 : i32 to vector<16xi32>
      %shift_right_logical3A_319 = arith.shrui %add3A_316, %shift_right_logical3A_318 : vector<16xi32>
      %and3A_320 = arith.constant 127 : i32
      %and3A_321 = vector.broadcast %and3A_320 : i32 to vector<16xi32>
      %and3A_322 = arith.andi %add3A_316, %and3A_321 : vector<16xi32>
      tpu.vector_store_idx %arg10[%shift_right_logical3A_319, %and3A_322], %broadcast_in_dim3A_110 : memref<132x128xi32, #tpu.memory_space<vmem>>[vector<16xi32>, vector<16xi32>], vector<16xi32>,
      tpu.vector_store_idx %arg11[%add3A_316], %broadcast_in_dim3A_112 : memref<16896xf32, #tpu.memory_space<vmem>>[vector<16xi32>], vector<16xf32>,
      %add3A_323 = arith.addi %while3A_253, %iota3A : vector<16xi32>
      %add3A_324 = arith.constant 112 : i32
      %add3A_325 = vector.broadcast %add3A_324 : i32 to vector<16xi32>
      %add3A_326 = arith.addi %add3A_323, %add3A_325 : vector<16xi32>
      %shift_right_logical3A_327 = arith.constant 7 : i32
      %shift_right_logical3A_328 = vector.broadcast %shift_right_logical3A_327 : i32 to vector<16xi32>
      %shift_right_logical3A_329 = arith.shrui %add3A_326, %shift_right_logical3A_328 : vector<16xi32>
      %and3A_330 = arith.constant 127 : i32
      %and3A_331 = vector.broadcast %and3A_330 : i32 to vector<16xi32>
      %and3A_332 = arith.andi %add3A_326, %and3A_331 : vector<16xi32>
      tpu.vector_store_idx %arg10[%shift_right_logical3A_329, %and3A_332], %broadcast_in_dim3A_110 : memref<132x128xi32, #tpu.memory_space<vmem>>[vector<16xi32>, vector<16xi32>], vector<16xi32>,
      tpu.vector_store_idx %arg11[%add3A_326], %broadcast_in_dim3A_112 : memref<16896xf32, #tpu.memory_space<vmem>>[vector<16xi32>], vector<16xf32>,
      %slice3A_333 = vector.extract_strided_slice %while3A_253 {offsets = [0], sizes = [1], strides = [1]} : vector<16xi32> to vector<1xi32>
      %squeeze3A_334 = vector.extract %slice3A_333[0] : i32 from vector<1xi32>
      %add3A_335 = arith.constant 127 : i32
      %add3A_336 = arith.addi %squeeze3A_334, %add3A_335 : i32
      %jit3A_337 = arith.constant 128 : i32
      %div3A_338 = arith.divsi %add3A_336, %jit3A_337 : i32
      %sign3A_339 = arith.constant 0 : i32
      %sign3A_340 = arith.cmpi sgt, %add3A_336, %sign3A_339 : i32
      %sign3A_341 = arith.extui %sign3A_340 : i1 to i32
      %sign3A_342 = arith.constant 0 : i32
      %sign3A_343 = arith.cmpi slt, %add3A_336, %sign3A_342 : i32
      %sign3A_344 = arith.extui %sign3A_343 : i1 to i32
      %sign3A_345 = arith.subi %sign3A_341, %sign3A_344 : i32
      %sign3A_346 = arith.constant 0 : i32
      %sign3A_347 = arith.cmpi sgt, %jit3A_337, %sign3A_346 : i32
      %sign3A_348 = arith.extui %sign3A_347 : i1 to i32
      %sign3A_349 = arith.constant 0 : i32
      %sign3A_350 = arith.cmpi slt, %jit3A_337, %sign3A_349 : i32
      %sign3A_351 = arith.extui %sign3A_350 : i1 to i32
      %sign3A_352 = arith.subi %sign3A_348, %sign3A_351 : i32
      %ne3A_353 = arith.cmpi ne, %sign3A_345, %sign3A_352 : i32
      %rem3A_354 = arith.remsi %add3A_336, %jit3A_337 : i32
      %ne3A_355 = arith.constant 0 : i32
      %ne3A_356 = arith.cmpi ne, %rem3A_354, %ne3A_355 : i32
      %and3A_357 = arith.andi %ne3A_353, %ne3A_356 : i1
      %sub3A_358 = arith.constant 1 : i32
      %sub3A_359 = arith.subi %div3A_338, %sub3A_358 : i32
      %select_n3A_360 = arith.select %and3A_357, %sub3A_359, %div3A_338 : i32
      %while3A_361 = arith.constant 0 : i32
      %while3A_362 = arith.constant 0 : i32
      %while3A_363 = arith.subi %select_n3A_360, %while3A_362 : i32
      %while3A_364 = arith.addi %while3A_362, %while3A_363 : i32
      %while3A_365 = arith.constant 1 : i32
      %while3A_366 = arith.divsi %while3A_363, %while3A_365 : i32
      %while3A_367 = arith.muli %while3A_366, %while3A_365 : i32
      %while3A_368 = arith.addi %while3A_362, %while3A_367 : i32
      %while3A_369 = arith.constant 1 : i32
      scf.for %while3A_502 = %while3A_362 to %while3A_368 step %while3A_369  : i32 {
        %mul3A_503 = arith.constant 128 : i32
        %mul3A_504 = arith.muli %while3A_502, %mul3A_503 : i32
        %dma_start3A_505 = arith.constant 3 : i32
        %dma_start3A_506 = tpu.memref_slice %arg11[%mul3A_504] : memref<16896xf32, #tpu.memory_space<vmem>> -> memref<128xf32, #tpu.memory_space<vmem>>
        %dma_start3A_507 = arith.constant 0 : i32
        %dma_start3A_508 = tpu.memref_slice %arg10[%while3A_502, %dma_start3A_507] : memref<132x128xi32, #tpu.memory_space<vmem>> -> memref<1x128xi32, #tpu.memory_space<vmem>>
        %dma_start3A_509 = tpu.memref_squeeze %dma_start3A_508 : memref<1x128xi32, #tpu.memory_space<vmem>> -> memref<128xi32, #tpu.memory_space<vmem>>
        %dma_start3A_510 = arith.constant 0 : i32
        %dma_start3A_511 = tpu.memref_slice %arg17[%dma_start3A_510] : memref<640008xf32, #tpu.memory_space<vmem_shared>> -> memref<640008xf32, #tpu.memory_space<vmem_shared>>
        %dma_start3A_512 = tpu.memref_slice %arg18[%dma_start3A_505] : memref<4x!tpu.dma_semaphore, #tpu.memory_space<semaphore_mem>> -> memref<1x!tpu.dma_semaphore, #tpu.memory_space<semaphore_mem>>
        %dma_start3A_513 = tpu.memref_squeeze %dma_start3A_512 : memref<1x!tpu.dma_semaphore, #tpu.memory_space<semaphore_mem>> -> memref<!tpu.dma_semaphore, #tpu.memory_space<semaphore_mem>>
        tpu.enqueue_indirect_dma source(%dma_start3A_506 : memref<128xf32, #tpu.memory_space<vmem>>) target(%dma_start3A_511 : memref<640008xf32, #tpu.memory_space<vmem_shared>>) offsets(%dma_start3A_509 : memref<128xi32, #tpu.memory_space<vmem>>) semaphore(%dma_start3A_513 : memref<!tpu.dma_semaphore, #tpu.memory_space<semaphore_mem>>) {add = true}
      }
      %while3A_370 = arith.constant 1 : i32
      scf.for %while3A_502 = %while3A_368 to %while3A_364 step %while3A_370  : i32 {
        %mul3A_503 = arith.constant 128 : i32
        %mul3A_504 = arith.muli %while3A_502, %mul3A_503 : i32
        %dma_start3A_505 = arith.constant 3 : i32
        %dma_start3A_506 = tpu.memref_slice %arg11[%mul3A_504] : memref<16896xf32, #tpu.memory_space<vmem>> -> memref<128xf32, #tpu.memory_space<vmem>>
        %dma_start3A_507 = arith.constant 0 : i32
        %dma_start3A_508 = tpu.memref_slice %arg10[%while3A_502, %dma_start3A_507] : memref<132x128xi32, #tpu.memory_space<vmem>> -> memref<1x128xi32, #tpu.memory_space<vmem>>
        %dma_start3A_509 = tpu.memref_squeeze %dma_start3A_508 : memref<1x128xi32, #tpu.memory_space<vmem>> -> memref<128xi32, #tpu.memory_space<vmem>>
        %dma_start3A_510 = arith.constant 0 : i32
        %dma_start3A_511 = tpu.memref_slice %arg17[%dma_start3A_510] : memref<640008xf32, #tpu.memory_space<vmem_shared>> -> memref<640008xf32, #tpu.memory_space<vmem_shared>>
        %dma_start3A_512 = tpu.memref_slice %arg18[%dma_start3A_505] : memref<4x!tpu.dma_semaphore, #tpu.memory_space<semaphore_mem>> -> memref<1x!tpu.dma_semaphore, #tpu.memory_space<semaphore_mem>>
        %dma_start3A_513 = tpu.memref_squeeze %dma_start3A_512 : memref<1x!tpu.dma_semaphore, #tpu.memory_space<semaphore_mem>> -> memref<!tpu.dma_semaphore, #tpu.memory_space<semaphore_mem>>
        tpu.enqueue_indirect_dma source(%dma_start3A_506 : memref<128xf32, #tpu.memory_space<vmem>>) target(%dma_start3A_511 : memref<640008xf32, #tpu.memory_space<vmem_shared>>) offsets(%dma_start3A_509 : memref<128xi32, #tpu.memory_space<vmem>>) semaphore(%dma_start3A_513 : memref<!tpu.dma_semaphore, #tpu.memory_space<semaphore_mem>>) {add = true}
      }
      %while3A_371 = arith.constant 0 : i32
      %while3A_372 = arith.constant 0 : i32
      %while3A_373 = arith.subi %select_n3A_360, %while3A_372 : i32
      %while3A_374 = arith.addi %while3A_372, %while3A_373 : i32
      %while3A_375 = arith.constant 1 : i32
      %while3A_376 = arith.divsi %while3A_373, %while3A_375 : i32
      %while3A_377 = arith.muli %while3A_376, %while3A_375 : i32
      %while3A_378 = arith.addi %while3A_372, %while3A_377 : i32
      %while3A_379 = arith.constant 1 : i32
      scf.for %while3A_502 = %while3A_372 to %while3A_378 step %while3A_379  : i32 {
        %mul3A_503 = arith.constant 128 : i32
        %mul3A_504 = arith.muli %while3A_502, %mul3A_503 : i32
        %dma_wait3A_505 = arith.constant 3 : i32
        %dma_wait3A_506 = tpu.memref_slice %arg11[%mul3A_504] : memref<16896xf32, #tpu.memory_space<vmem>> -> memref<128xf32, #tpu.memory_space<vmem>>
        %dma_wait3A_507 = arith.constant 0 : i32
        %dma_wait3A_508 = tpu.memref_slice %arg10[%while3A_502, %dma_wait3A_507] : memref<132x128xi32, #tpu.memory_space<vmem>> -> memref<1x128xi32, #tpu.memory_space<vmem>>
        %dma_wait3A_509 = tpu.memref_squeeze %dma_wait3A_508 : memref<1x128xi32, #tpu.memory_space<vmem>> -> memref<128xi32, #tpu.memory_space<vmem>>
        %dma_wait3A_510 = arith.constant 0 : i32
        %dma_wait3A_511 = tpu.memref_slice %arg17[%dma_wait3A_510] : memref<640008xf32, #tpu.memory_space<vmem_shared>> -> memref<640008xf32, #tpu.memory_space<vmem_shared>>
        %dma_wait3A_512 = tpu.memref_slice %arg18[%dma_wait3A_505] : memref<4x!tpu.dma_semaphore, #tpu.memory_space<semaphore_mem>> -> memref<1x!tpu.dma_semaphore, #tpu.memory_space<semaphore_mem>>
        %dma_wait3A_513 = tpu.memref_squeeze %dma_wait3A_512 : memref<1x!tpu.dma_semaphore, #tpu.memory_space<semaphore_mem>> -> memref<!tpu.dma_semaphore, #tpu.memory_space<semaphore_mem>>
        tpu.wait_indirect_dma semaphore(%dma_wait3A_513 : memref<!tpu.dma_semaphore, #tpu.memory_space<semaphore_mem>>) src(%dma_wait3A_506 : memref<128xf32, #tpu.memory_space<vmem>>) dst(%dma_wait3A_511 : memref<640008xf32, #tpu.memory_space<vmem_shared>>)
      }
      %while3A_380 = arith.constant 1 : i32
      scf.for %while3A_502 = %while3A_378 to %while3A_374 step %while3A_380  : i32 {
        %mul3A_503 = arith.constant 128 : i32
        %mul3A_504 = arith.muli %while3A_502, %mul3A_503 : i32
        %dma_wait3A_505 = arith.constant 3 : i32
        %dma_wait3A_506 = tpu.memref_slice %arg11[%mul3A_504] : memref<16896xf32, #tpu.memory_space<vmem>> -> memref<128xf32, #tpu.memory_space<vmem>>
        %dma_wait3A_507 = arith.constant 0 : i32
        %dma_wait3A_508 = tpu.memref_slice %arg10[%while3A_502, %dma_wait3A_507] : memref<132x128xi32, #tpu.memory_space<vmem>> -> memref<1x128xi32, #tpu.memory_space<vmem>>
        %dma_wait3A_509 = tpu.memref_squeeze %dma_wait3A_508 : memref<1x128xi32, #tpu.memory_space<vmem>> -> memref<128xi32, #tpu.memory_space<vmem>>
        %dma_wait3A_510 = arith.constant 0 : i32
        %dma_wait3A_511 = tpu.memref_slice %arg17[%dma_wait3A_510] : memref<640008xf32, #tpu.memory_space<vmem_shared>> -> memref<640008xf32, #tpu.memory_space<vmem_shared>>
        %dma_wait3A_512 = tpu.memref_slice %arg18[%dma_wait3A_505] : memref<4x!tpu.dma_semaphore, #tpu.memory_space<semaphore_mem>> -> memref<1x!tpu.dma_semaphore, #tpu.memory_space<semaphore_mem>>
        %dma_wait3A_513 = tpu.memref_squeeze %dma_wait3A_512 : memref<1x!tpu.dma_semaphore, #tpu.memory_space<semaphore_mem>> -> memref<!tpu.dma_semaphore, #tpu.memory_space<semaphore_mem>>
        tpu.wait_indirect_dma semaphore(%dma_wait3A_513 : memref<!tpu.dma_semaphore, #tpu.memory_space<semaphore_mem>>) src(%dma_wait3A_506 : memref<128xf32, #tpu.memory_space<vmem>>) dst(%dma_wait3A_511 : memref<640008xf32, #tpu.memory_space<vmem_shared>>)
      }
      %barrier3A_381 = arith.constant 0 : index
      tpu.barrier barrier_id(%barrier3A_381)
      %mul3A_382 = arith.constant 4 : i32
      %mul3A_383 = arith.muli %mul3A_382, %arg1 : i32
      %add3A_384 = arith.constant 0 : i32
      %add3A_385 = arith.addi %mul3A_383, %add3A_384 : i32
      %mul3A_386 = arith.constant 10000 : i32
      %mul3A_387 = arith.muli %add3A_385, %mul3A_386 : i32
      %mul3A_388 = arith.constant 500000 : i32
      %mul3A_389 = arith.muli %add3A_385, %mul3A_388 : i32
      %add3A_390 = arith.addi %mul3A_389, %mul3A_0 : i32
      %add3A_391 = arith.addi %add3A_390, %mul3A_121 : i32
      %dma_start3A_392 = arith.constant 2 : i32
      %dma_start3A_393 = tpu.memref_slice %arg18[%dma_start3A_392] : memref<4x!tpu.dma_semaphore, #tpu.memory_space<semaphore_mem>> -> memref<1x!tpu.dma_semaphore, #tpu.memory_space<semaphore_mem>>
      %dma_start3A_394 = tpu.memref_squeeze %dma_start3A_393 : memref<1x!tpu.dma_semaphore, #tpu.memory_space<semaphore_mem>> -> memref<!tpu.dma_semaphore, #tpu.memory_space<semaphore_mem>>
      %dma_start3A_395 = tpu.memref_slice %arg7[%add3A_391] : memref<32000000xf32, #tpu.memory_space<hbm>> -> memref<10000xf32, #tpu.memory_space<hbm>>
      %dma_start3A_396 = tpu.memref_slice %arg17[%mul3A_387] : memref<640008xf32, #tpu.memory_space<vmem_shared>> -> memref<10000xf32, #tpu.memory_space<vmem_shared>>
      tpu.enqueue_dma source(%dma_start3A_396 : memref<10000xf32, #tpu.memory_space<vmem_shared>>) target(%dma_start3A_395 : memref<10000xf32, #tpu.memory_space<hbm>>) target_semaphore(%dma_start3A_394 : memref<!tpu.dma_semaphore, #tpu.memory_space<semaphore_mem>>)
      %mul3A_397 = arith.constant 4 : i32
      %mul3A_398 = arith.muli %mul3A_397, %arg1 : i32
      %add3A_399 = arith.constant 1 : i32
      %add3A_400 = arith.addi %mul3A_398, %add3A_399 : i32
      %mul3A_401 = arith.constant 10000 : i32
      %mul3A_402 = arith.muli %add3A_400, %mul3A_401 : i32
      %mul3A_403 = arith.constant 500000 : i32
      %mul3A_404 = arith.muli %add3A_400, %mul3A_403 : i32
      %add3A_405 = arith.addi %mul3A_404, %mul3A_0 : i32
      %add3A_406 = arith.addi %add3A_405, %mul3A_121 : i32
      %dma_start3A_407 = arith.constant 2 : i32
      %dma_start3A_408 = tpu.memref_slice %arg18[%dma_start3A_407] : memref<4x!tpu.dma_semaphore, #tpu.memory_space<semaphore_mem>> -> memref<1x!tpu.dma_semaphore, #tpu.memory_space<semaphore_mem>>
      %dma_start3A_409 = tpu.memref_squeeze %dma_start3A_408 : memref<1x!tpu.dma_semaphore, #tpu.memory_space<semaphore_mem>> -> memref<!tpu.dma_semaphore, #tpu.memory_space<semaphore_mem>>
      %dma_start3A_410 = tpu.memref_slice %arg7[%add3A_406] : memref<32000000xf32, #tpu.memory_space<hbm>> -> memref<10000xf32, #tpu.memory_space<hbm>>
      %dma_start3A_411 = tpu.memref_slice %arg17[%mul3A_402] : memref<640008xf32, #tpu.memory_space<vmem_shared>> -> memref<10000xf32, #tpu.memory_space<vmem_shared>>
      tpu.enqueue_dma source(%dma_start3A_411 : memref<10000xf32, #tpu.memory_space<vmem_shared>>) target(%dma_start3A_410 : memref<10000xf32, #tpu.memory_space<hbm>>) target_semaphore(%dma_start3A_409 : memref<!tpu.dma_semaphore, #tpu.memory_space<semaphore_mem>>)
      %mul3A_412 = arith.constant 4 : i32
      %mul3A_413 = arith.muli %mul3A_412, %arg1 : i32
      %add3A_414 = arith.constant 2 : i32
      %add3A_415 = arith.addi %mul3A_413, %add3A_414 : i32
      %mul3A_416 = arith.constant 10000 : i32
      %mul3A_417 = arith.muli %add3A_415, %mul3A_416 : i32
      %mul3A_418 = arith.constant 500000 : i32
      %mul3A_419 = arith.muli %add3A_415, %mul3A_418 : i32
      %add3A_420 = arith.addi %mul3A_419, %mul3A_0 : i32
      %add3A_421 = arith.addi %add3A_420, %mul3A_121 : i32
      %dma_start3A_422 = arith.constant 2 : i32
      %dma_start3A_423 = tpu.memref_slice %arg18[%dma_start3A_422] : memref<4x!tpu.dma_semaphore, #tpu.memory_space<semaphore_mem>> -> memref<1x!tpu.dma_semaphore, #tpu.memory_space<semaphore_mem>>
      %dma_start3A_424 = tpu.memref_squeeze %dma_start3A_423 : memref<1x!tpu.dma_semaphore, #tpu.memory_space<semaphore_mem>> -> memref<!tpu.dma_semaphore, #tpu.memory_space<semaphore_mem>>
      %dma_start3A_425 = tpu.memref_slice %arg7[%add3A_421] : memref<32000000xf32, #tpu.memory_space<hbm>> -> memref<10000xf32, #tpu.memory_space<hbm>>
      %dma_start3A_426 = tpu.memref_slice %arg17[%mul3A_417] : memref<640008xf32, #tpu.memory_space<vmem_shared>> -> memref<10000xf32, #tpu.memory_space<vmem_shared>>
      tpu.enqueue_dma source(%dma_start3A_426 : memref<10000xf32, #tpu.memory_space<vmem_shared>>) target(%dma_start3A_425 : memref<10000xf32, #tpu.memory_space<hbm>>) target_semaphore(%dma_start3A_424 : memref<!tpu.dma_semaphore, #tpu.memory_space<semaphore_mem>>)
      %mul3A_427 = arith.constant 4 : i32
      %mul3A_428 = arith.muli %mul3A_427, %arg1 : i32
      %add3A_429 = arith.constant 3 : i32
      %add3A_430 = arith.addi %mul3A_428, %add3A_429 : i32
      %mul3A_431 = arith.constant 10000 : i32
      %mul3A_432 = arith.muli %add3A_430, %mul3A_431 : i32
      %mul3A_433 = arith.constant 500000 : i32
      %mul3A_434 = arith.muli %add3A_430, %mul3A_433 : i32
      %add3A_435 = arith.addi %mul3A_434, %mul3A_0 : i32
      %add3A_436 = arith.addi %add3A_435, %mul3A_121 : i32
      %dma_start3A_437 = arith.constant 2 : i32
      %dma_start3A_438 = tpu.memref_slice %arg18[%dma_start3A_437] : memref<4x!tpu.dma_semaphore, #tpu.memory_space<semaphore_mem>> -> memref<1x!tpu.dma_semaphore, #tpu.memory_space<semaphore_mem>>
      %dma_start3A_439 = tpu.memref_squeeze %dma_start3A_438 : memref<1x!tpu.dma_semaphore, #tpu.memory_space<semaphore_mem>> -> memref<!tpu.dma_semaphore, #tpu.memory_space<semaphore_mem>>
      %dma_start3A_440 = tpu.memref_slice %arg7[%add3A_436] : memref<32000000xf32, #tpu.memory_space<hbm>> -> memref<10000xf32, #tpu.memory_space<hbm>>
      %dma_start3A_441 = tpu.memref_slice %arg17[%mul3A_432] : memref<640008xf32, #tpu.memory_space<vmem_shared>> -> memref<10000xf32, #tpu.memory_space<vmem_shared>>
      tpu.enqueue_dma source(%dma_start3A_441 : memref<10000xf32, #tpu.memory_space<vmem_shared>>) target(%dma_start3A_440 : memref<10000xf32, #tpu.memory_space<hbm>>) target_semaphore(%dma_start3A_439 : memref<!tpu.dma_semaphore, #tpu.memory_space<semaphore_mem>>)
      %mul3A_442 = arith.constant 4 : i32
      %mul3A_443 = arith.muli %mul3A_442, %arg1 : i32
      %add3A_444 = arith.constant 0 : i32
      %add3A_445 = arith.addi %mul3A_443, %add3A_444 : i32
      %mul3A_446 = arith.constant 10000 : i32
      %mul3A_447 = arith.muli %add3A_445, %mul3A_446 : i32
      %mul3A_448 = arith.constant 500000 : i32
      %mul3A_449 = arith.muli %add3A_445, %mul3A_448 : i32
      %add3A_450 = arith.addi %mul3A_449, %mul3A_0 : i32
      %add3A_451 = arith.addi %add3A_450, %mul3A_121 : i32
      %dma_wait3A_452 = arith.constant 2 : i32
      %dma_wait3A_453 = tpu.memref_slice %arg18[%dma_wait3A_452] : memref<4x!tpu.dma_semaphore, #tpu.memory_space<semaphore_mem>> -> memref<1x!tpu.dma_semaphore, #tpu.memory_space<semaphore_mem>>
      %dma_wait3A_454 = tpu.memref_squeeze %dma_wait3A_453 : memref<1x!tpu.dma_semaphore, #tpu.memory_space<semaphore_mem>> -> memref<!tpu.dma_semaphore, #tpu.memory_space<semaphore_mem>>
      %dma_wait3A_455 = tpu.memref_slice %arg7[%add3A_451] : memref<32000000xf32, #tpu.memory_space<hbm>> -> memref<10000xf32, #tpu.memory_space<hbm>>
      %dma_wait3A_456 = tpu.memref_slice %arg17[%mul3A_447] : memref<640008xf32, #tpu.memory_space<vmem_shared>> -> memref<10000xf32, #tpu.memory_space<vmem_shared>>
      tpu.wait_dma2 semaphore(%dma_wait3A_454 : memref<!tpu.dma_semaphore, #tpu.memory_space<semaphore_mem>>) src(%dma_wait3A_456 : memref<10000xf32, #tpu.memory_space<vmem_shared>>) dst(%dma_wait3A_455 : memref<10000xf32, #tpu.memory_space<hbm>>)
      %mul3A_457 = arith.constant 4 : i32
      %mul3A_458 = arith.muli %mul3A_457, %arg1 : i32
      %add3A_459 = arith.constant 1 : i32
      %add3A_460 = arith.addi %mul3A_458, %add3A_459 : i32
      %mul3A_461 = arith.constant 10000 : i32
      %mul3A_462 = arith.muli %add3A_460, %mul3A_461 : i32
      %mul3A_463 = arith.constant 500000 : i32
      %mul3A_464 = arith.muli %add3A_460, %mul3A_463 : i32
      %add3A_465 = arith.addi %mul3A_464, %mul3A_0 : i32
      %add3A_466 = arith.addi %add3A_465, %mul3A_121 : i32
      %dma_wait3A_467 = arith.constant 2 : i32
      %dma_wait3A_468 = tpu.memref_slice %arg18[%dma_wait3A_467] : memref<4x!tpu.dma_semaphore, #tpu.memory_space<semaphore_mem>> -> memref<1x!tpu.dma_semaphore, #tpu.memory_space<semaphore_mem>>
      %dma_wait3A_469 = tpu.memref_squeeze %dma_wait3A_468 : memref<1x!tpu.dma_semaphore, #tpu.memory_space<semaphore_mem>> -> memref<!tpu.dma_semaphore, #tpu.memory_space<semaphore_mem>>
      %dma_wait3A_470 = tpu.memref_slice %arg7[%add3A_466] : memref<32000000xf32, #tpu.memory_space<hbm>> -> memref<10000xf32, #tpu.memory_space<hbm>>
      %dma_wait3A_471 = tpu.memref_slice %arg17[%mul3A_462] : memref<640008xf32, #tpu.memory_space<vmem_shared>> -> memref<10000xf32, #tpu.memory_space<vmem_shared>>
      tpu.wait_dma2 semaphore(%dma_wait3A_469 : memref<!tpu.dma_semaphore, #tpu.memory_space<semaphore_mem>>) src(%dma_wait3A_471 : memref<10000xf32, #tpu.memory_space<vmem_shared>>) dst(%dma_wait3A_470 : memref<10000xf32, #tpu.memory_space<hbm>>)
      %mul3A_472 = arith.constant 4 : i32
      %mul3A_473 = arith.muli %mul3A_472, %arg1 : i32
      %add3A_474 = arith.constant 2 : i32
      %add3A_475 = arith.addi %mul3A_473, %add3A_474 : i32
      %mul3A_476 = arith.constant 10000 : i32
      %mul3A_477 = arith.muli %add3A_475, %mul3A_476 : i32
      %mul3A_478 = arith.constant 500000 : i32
      %mul3A_479 = arith.muli %add3A_475, %mul3A_478 : i32
      %add3A_480 = arith.addi %mul3A_479, %mul3A_0 : i32
      %add3A_481 = arith.addi %add3A_480, %mul3A_121 : i32
      %dma_wait3A_482 = arith.constant 2 : i32
      %dma_wait3A_483 = tpu.memref_slice %arg18[%dma_wait3A_482] : memref<4x!tpu.dma_semaphore, #tpu.memory_space<semaphore_mem>> -> memref<1x!tpu.dma_semaphore, #tpu.memory_space<semaphore_mem>>
      %dma_wait3A_484 = tpu.memref_squeeze %dma_wait3A_483 : memref<1x!tpu.dma_semaphore, #tpu.memory_space<semaphore_mem>> -> memref<!tpu.dma_semaphore, #tpu.memory_space<semaphore_mem>>
      %dma_wait3A_485 = tpu.memref_slice %arg7[%add3A_481] : memref<32000000xf32, #tpu.memory_space<hbm>> -> memref<10000xf32, #tpu.memory_space<hbm>>
      %dma_wait3A_486 = tpu.memref_slice %arg17[%mul3A_477] : memref<640008xf32, #tpu.memory_space<vmem_shared>> -> memref<10000xf32, #tpu.memory_space<vmem_shared>>
      tpu.wait_dma2 semaphore(%dma_wait3A_484 : memref<!tpu.dma_semaphore, #tpu.memory_space<semaphore_mem>>) src(%dma_wait3A_486 : memref<10000xf32, #tpu.memory_space<vmem_shared>>) dst(%dma_wait3A_485 : memref<10000xf32, #tpu.memory_space<hbm>>)
      %mul3A_487 = arith.constant 4 : i32
      %mul3A_488 = arith.muli %mul3A_487, %arg1 : i32
      %add3A_489 = arith.constant 3 : i32
      %add3A_490 = arith.addi %mul3A_488, %add3A_489 : i32
      %mul3A_491 = arith.constant 10000 : i32
      %mul3A_492 = arith.muli %add3A_490, %mul3A_491 : i32
      %mul3A_493 = arith.constant 500000 : i32
      %mul3A_494 = arith.muli %add3A_490, %mul3A_493 : i32
      %add3A_495 = arith.addi %mul3A_494, %mul3A_0 : i32
      %add3A_496 = arith.addi %add3A_495, %mul3A_121 : i32
      %dma_wait3A_497 = arith.constant 2 : i32
      %dma_wait3A_498 = tpu.memref_slice %arg18[%dma_wait3A_497] : memref<4x!tpu.dma_semaphore, #tpu.memory_space<semaphore_mem>> -> memref<1x!tpu.dma_semaphore, #tpu.memory_space<semaphore_mem>>
      %dma_wait3A_499 = tpu.memref_squeeze %dma_wait3A_498 : memref<1x!tpu.dma_semaphore, #tpu.memory_space<semaphore_mem>> -> memref<!tpu.dma_semaphore, #tpu.memory_space<semaphore_mem>>
      %dma_wait3A_500 = tpu.memref_slice %arg7[%add3A_496] : memref<32000000xf32, #tpu.memory_space<hbm>> -> memref<10000xf32, #tpu.memory_space<hbm>>
      %dma_wait3A_501 = tpu.memref_slice %arg17[%mul3A_492] : memref<640008xf32, #tpu.memory_space<vmem_shared>> -> memref<10000xf32, #tpu.memory_space<vmem_shared>>
      tpu.wait_dma2 semaphore(%dma_wait3A_499 : memref<!tpu.dma_semaphore, #tpu.memory_space<semaphore_mem>>) src(%dma_wait3A_501 : memref<10000xf32, #tpu.memory_space<vmem_shared>>) dst(%dma_wait3A_500 : memref<10000xf32, #tpu.memory_space<hbm>>)
    }
    %scan3A_118 = arith.constant 25 : i32
    return
  }
}

#map = affine_map<(d0, d1) -> (0, 0)>
module attributes {stable_mosaic.version = 14 : i64} {
  func.func @_associate(%arg0: i32, %arg1: i32, %arg2: memref<500000x64xf32, #tpu.memory_space<hbm>>, %arg3: memref<32x8192xi32, #tpu.memory_space<hbm>>, %arg4: memref<32x64xf32, #tpu.memory_space<hbm>>, %arg5: memref<32x16xi32, #tpu.memory_space<hbm>>, %arg6: memref<32x16xf32, #tpu.memory_space<hbm>>, %arg7: memref<8192xi32, #tpu.memory_space<vmem>>, %arg8: memref<2x128x64xf32, #tpu.memory_space<vmem>>, %arg9: memref<64xf32, #tpu.memory_space<vmem>>, %arg10: memref<16xi32, #tpu.memory_space<vmem>>, %arg11: memref<16xf32, #tpu.memory_space<vmem>>, %arg12: memref<2x!tpu.dma_semaphore, #tpu.memory_space<semaphore_mem>>) attributes {dimension_semantics = [#tpu.dimension_semantics<core_parallel>, #tpu.dimension_semantics<subcore_parallel>], iteration_bounds = array<i64: 2, 16>, scalar_prefetch = 0 : i64, scratch_operands = 6 : i64, tpu.core_type = #tpu.core_type<sc_vector_subcore>, window_params = [{transform_indices = #map}, {transform_indices = #map}, {transform_indices = #map}, {transform_indices = #map}, {transform_indices = #map}]} {
    %mul3A = arith.constant 2 : i32
    %mul3A_0 = arith.muli %arg1, %mul3A : i32
    %add3A = arith.addi %mul3A_0, %arg0 : i32
    "tpu.region"() ({
      %run_scoped3A = tpu.sem_alloc : memref<!tpu.dma_semaphore, #tpu.memory_space<semaphore_mem>>
      %dma_start3A_114 = arith.constant 0 : i32
      %dma_start3A_115 = tpu.memref_slice %arg3[%add3A, %dma_start3A_114] : memref<32x8192xi32, #tpu.memory_space<hbm>> -> memref<1x8192xi32, #tpu.memory_space<hbm>>
      %dma_start3A_116 = tpu.memref_squeeze %dma_start3A_115 : memref<1x8192xi32, #tpu.memory_space<hbm>> -> memref<8192xi32, #tpu.memory_space<hbm>>
      %dma_start3A_117 = arith.constant 0 : i32
      %dma_start3A_118 = tpu.memref_slice %arg3[%add3A, %dma_start3A_117] : memref<32x8192xi32, #tpu.memory_space<hbm>> -> memref<1x8192xi32, #tpu.memory_space<hbm>>
      %dma_start3A_119 = tpu.memref_squeeze %dma_start3A_118 : memref<1x8192xi32, #tpu.memory_space<hbm>> -> memref<8192xi32, #tpu.memory_space<hbm>>
      tpu.enqueue_dma source(%dma_start3A_119 : memref<8192xi32, #tpu.memory_space<hbm>>) target(%arg7 : memref<8192xi32, #tpu.memory_space<vmem>>) target_semaphore(%run_scoped3A : memref<!tpu.dma_semaphore, #tpu.memory_space<semaphore_mem>>)
      %dma_wait3A = arith.constant 0 : i32
      %dma_wait3A_120 = tpu.memref_slice %arg3[%add3A, %dma_wait3A] : memref<32x8192xi32, #tpu.memory_space<hbm>> -> memref<1x8192xi32, #tpu.memory_space<hbm>>
      %dma_wait3A_121 = tpu.memref_squeeze %dma_wait3A_120 : memref<1x8192xi32, #tpu.memory_space<hbm>> -> memref<8192xi32, #tpu.memory_space<hbm>>
      %dma_wait3A_122 = arith.constant 0 : i32
      %dma_wait3A_123 = tpu.memref_slice %arg3[%add3A, %dma_wait3A_122] : memref<32x8192xi32, #tpu.memory_space<hbm>> -> memref<1x8192xi32, #tpu.memory_space<hbm>>
      %dma_wait3A_124 = tpu.memref_squeeze %dma_wait3A_123 : memref<1x8192xi32, #tpu.memory_space<hbm>> -> memref<8192xi32, #tpu.memory_space<hbm>>
      tpu.wait_dma2 semaphore(%run_scoped3A : memref<!tpu.dma_semaphore, #tpu.memory_space<semaphore_mem>>) src(%dma_wait3A_124 : memref<8192xi32, #tpu.memory_space<hbm>>) dst(%arg7 : memref<8192xi32, #tpu.memory_space<vmem>>)
      tpu.yield
    }) : () -> ()
    %dma_start3A = arith.constant 0 : i32
    %dma_start3A_1 = arith.constant 0 : i32
    %dma_start3A_2 = arith.constant 0 : i32
    %dma_start3A_3 = arith.constant 0 : i32
    %dma_start3A_4 = tpu.memref_slice %arg8[%dma_start3A, %dma_start3A_2, %dma_start3A_3] : memref<2x128x64xf32, #tpu.memory_space<vmem>> -> memref<1x128x64xf32, #tpu.memory_space<vmem>>
    %dma_start3A_5 = tpu.memref_squeeze %dma_start3A_4 : memref<1x128x64xf32, #tpu.memory_space<vmem>> -> memref<128x64xf32, #tpu.memory_space<vmem>>
    %dma_start3A_6 = arith.constant 0 : i32
    %dma_start3A_7 = tpu.memref_slice %arg7[%dma_start3A_6] : memref<8192xi32, #tpu.memory_space<vmem>> -> memref<128xi32, #tpu.memory_space<vmem>>
    %dma_start3A_8 = arith.constant 0 : i32
    %dma_start3A_9 = arith.constant 0 : i32
    %dma_start3A_10 = tpu.memref_slice %arg2[%dma_start3A_8, %dma_start3A_9] : memref<500000x64xf32, #tpu.memory_space<hbm>> -> memref<500000x64xf32, #tpu.memory_space<hbm>>
    %dma_start3A_11 = tpu.memref_slice %arg12[%dma_start3A_1] : memref<2x!tpu.dma_semaphore, #tpu.memory_space<semaphore_mem>> -> memref<1x!tpu.dma_semaphore, #tpu.memory_space<semaphore_mem>>
    %dma_start3A_12 = tpu.memref_squeeze %dma_start3A_11 : memref<1x!tpu.dma_semaphore, #tpu.memory_space<semaphore_mem>> -> memref<!tpu.dma_semaphore, #tpu.memory_space<semaphore_mem>>
    tpu.enqueue_indirect_dma source(%dma_start3A_10 : memref<500000x64xf32, #tpu.memory_space<hbm>>) target(%dma_start3A_5 : memref<128x64xf32, #tpu.memory_space<vmem>>) offsets(%dma_start3A_7 : memref<128xi32, #tpu.memory_space<vmem>>) semaphore(%dma_start3A_12 : memref<!tpu.dma_semaphore, #tpu.memory_space<semaphore_mem>>)
    %broadcast_in_dim3A = arith.constant 0.000000e+00 : f32
    %broadcast_in_dim3A_13 = vector.broadcast %broadcast_in_dim3A : f32 to vector<16xf32>
    %scan3A = arith.constant 0 : i32
    %scan3A_14 = arith.constant 64 : i32
    %scan3A_15 = arith.addi %scan3A, %scan3A_14 : i32
    %scan3A_16 = arith.constant 1 : i32
    %scan3A_17:4 = scf.for %scan3A_114 = %scan3A to %scan3A_15 step %scan3A_16 iter_args(%scan3A_115 = %broadcast_in_dim3A_13, %scan3A_116 = %broadcast_in_dim3A_13, %scan3A_117 = %broadcast_in_dim3A_13, %scan3A_118 = %broadcast_in_dim3A_13) -> (vector<16xf32>, vector<16xf32>, vector<16xf32>, vector<16xf32>)  : i32 {
      %rem3A = arith.constant 2 : i32
      %rem3A_119 = arith.remsi %scan3A_114, %rem3A : i32
      %add3A_120 = arith.constant 1 : i32
      %add3A_121 = arith.addi %scan3A_114, %add3A_120 : i32
      %lt3A = arith.constant 64 : i32
      %lt3A_122 = arith.cmpi slt, %add3A_121, %lt3A : i32
      %convert_element_type3A = arith.extui %lt3A_122 : i1 to i32
      %cond3A = arith.constant 0 : i32
      %cond3A_123 = arith.cmpi ne, %convert_element_type3A, %cond3A : i32
      scf.if %cond3A_123 {
        %add3A_141 = arith.constant 1 : i32
        %add3A_142 = arith.addi %scan3A_114, %add3A_141 : i32
        %add3A_143 = arith.constant 1 : i32
        %add3A_144 = arith.addi %scan3A_114, %add3A_143 : i32
        %rem3A_145 = arith.constant 2 : i32
        %rem3A_146 = arith.remsi %add3A_144, %rem3A_145 : i32
        %mul3A_147 = arith.constant 128 : i32
        %mul3A_148 = arith.muli %add3A_142, %mul3A_147 : i32
        %dma_start3A_149 = arith.constant 0 : i32
        %dma_start3A_150 = arith.constant 0 : i32
        %dma_start3A_151 = tpu.memref_slice %arg8[%rem3A_146, %dma_start3A_149, %dma_start3A_150] : memref<2x128x64xf32, #tpu.memory_space<vmem>> -> memref<1x128x64xf32, #tpu.memory_space<vmem>>
        %dma_start3A_152 = tpu.memref_squeeze %dma_start3A_151 : memref<1x128x64xf32, #tpu.memory_space<vmem>> -> memref<128x64xf32, #tpu.memory_space<vmem>>
        %dma_start3A_153 = tpu.memref_slice %arg7[%mul3A_148] : memref<8192xi32, #tpu.memory_space<vmem>> -> memref<128xi32, #tpu.memory_space<vmem>>
        %dma_start3A_154 = arith.constant 0 : i32
        %dma_start3A_155 = arith.constant 0 : i32
        %dma_start3A_156 = tpu.memref_slice %arg2[%dma_start3A_154, %dma_start3A_155] : memref<500000x64xf32, #tpu.memory_space<hbm>> -> memref<500000x64xf32, #tpu.memory_space<hbm>>
        %dma_start3A_157 = tpu.memref_slice %arg12[%rem3A_146] : memref<2x!tpu.dma_semaphore, #tpu.memory_space<semaphore_mem>> -> memref<1x!tpu.dma_semaphore, #tpu.memory_space<semaphore_mem>>
        %dma_start3A_158 = tpu.memref_squeeze %dma_start3A_157 : memref<1x!tpu.dma_semaphore, #tpu.memory_space<semaphore_mem>> -> memref<!tpu.dma_semaphore, #tpu.memory_space<semaphore_mem>>
        tpu.enqueue_indirect_dma source(%dma_start3A_156 : memref<500000x64xf32, #tpu.memory_space<hbm>>) target(%dma_start3A_152 : memref<128x64xf32, #tpu.memory_space<vmem>>) offsets(%dma_start3A_153 : memref<128xi32, #tpu.memory_space<vmem>>) semaphore(%dma_start3A_158 : memref<!tpu.dma_semaphore, #tpu.memory_space<semaphore_mem>>)
      } else {
      }
      %mul3A_124 = arith.constant 128 : i32
      %mul3A_125 = arith.muli %scan3A_114, %mul3A_124 : i32
      %dma_wait3A = arith.constant 0 : i32
      %dma_wait3A_126 = arith.constant 0 : i32
      %dma_wait3A_127 = tpu.memref_slice %arg8[%rem3A_119, %dma_wait3A, %dma_wait3A_126] : memref<2x128x64xf32, #tpu.memory_space<vmem>> -> memref<1x128x64xf32, #tpu.memory_space<vmem>>
      %dma_wait3A_128 = tpu.memref_squeeze %dma_wait3A_127 : memref<1x128x64xf32, #tpu.memory_space<vmem>> -> memref<128x64xf32, #tpu.memory_space<vmem>>
      %dma_wait3A_129 = tpu.memref_slice %arg7[%mul3A_125] : memref<8192xi32, #tpu.memory_space<vmem>> -> memref<128xi32, #tpu.memory_space<vmem>>
      %dma_wait3A_130 = arith.constant 0 : i32
      %dma_wait3A_131 = arith.constant 0 : i32
      %dma_wait3A_132 = tpu.memref_slice %arg2[%dma_wait3A_130, %dma_wait3A_131] : memref<500000x64xf32, #tpu.memory_space<hbm>> -> memref<500000x64xf32, #tpu.memory_space<hbm>>
      %dma_wait3A_133 = tpu.memref_slice %arg12[%rem3A_119] : memref<2x!tpu.dma_semaphore, #tpu.memory_space<semaphore_mem>> -> memref<1x!tpu.dma_semaphore, #tpu.memory_space<semaphore_mem>>
      %dma_wait3A_134 = tpu.memref_squeeze %dma_wait3A_133 : memref<1x!tpu.dma_semaphore, #tpu.memory_space<semaphore_mem>> -> memref<!tpu.dma_semaphore, #tpu.memory_space<semaphore_mem>>
      tpu.wait_indirect_dma semaphore(%dma_wait3A_134 : memref<!tpu.dma_semaphore, #tpu.memory_space<semaphore_mem>>) src(%dma_wait3A_132 : memref<500000x64xf32, #tpu.memory_space<hbm>>) dst(%dma_wait3A_128 : memref<128x64xf32, #tpu.memory_space<vmem>>)
      %scan3A_135 = arith.constant 0 : i32
      %scan3A_136 = arith.constant 128 : i32
      %scan3A_137 = arith.addi %scan3A_135, %scan3A_136 : i32
      %scan3A_138 = arith.constant 1 : i32
      %scan3A_139:4 = scf.for %scan3A_141 = %scan3A_135 to %scan3A_137 step %scan3A_138 iter_args(%scan3A_142 = %scan3A_115, %scan3A_143 = %scan3A_116, %scan3A_144 = %scan3A_117, %scan3A_145 = %scan3A_118) -> (vector<16xf32>, vector<16xf32>, vector<16xf32>, vector<16xf32>)  : i32 {
        %get3A = arith.index_cast %rem3A_119 : i32 to index
        %get3A_146 = arith.index_cast %scan3A_141 : i32 to index
        %get3A_147 = arith.constant 0 : index
        %get3A_148 = tpu.vector_load %arg8[%get3A, %get3A_146, %get3A_147] {strides = array<i32>} : memref<2x128x64xf32, #tpu.memory_space<vmem>>, vector<16xf32>,
        %add3A_149 = arith.addf %scan3A_142, %get3A_148 : vector<16xf32>
        %get3A_150 = arith.index_cast %rem3A_119 : i32 to index
        %get3A_151 = arith.index_cast %scan3A_141 : i32 to index
        %get3A_152 = arith.constant 16 : index
        %get3A_153 = tpu.vector_load %arg8[%get3A_150, %get3A_151, %get3A_152] {strides = array<i32>} : memref<2x128x64xf32, #tpu.memory_space<vmem>>, vector<16xf32>,
        %add3A_154 = arith.addf %scan3A_143, %get3A_153 : vector<16xf32>
        %get3A_155 = arith.index_cast %rem3A_119 : i32 to index
        %get3A_156 = arith.index_cast %scan3A_141 : i32 to index
        %get3A_157 = arith.constant 32 : index
        %get3A_158 = tpu.vector_load %arg8[%get3A_155, %get3A_156, %get3A_157] {strides = array<i32>} : memref<2x128x64xf32, #tpu.memory_space<vmem>>, vector<16xf32>,
        %add3A_159 = arith.addf %scan3A_144, %get3A_158 : vector<16xf32>
        %get3A_160 = arith.index_cast %rem3A_119 : i32 to index
        %get3A_161 = arith.index_cast %scan3A_141 : i32 to index
        %get3A_162 = arith.constant 48 : index
        %get3A_163 = tpu.vector_load %arg8[%get3A_160, %get3A_161, %get3A_162] {strides = array<i32>} : memref<2x128x64xf32, #tpu.memory_space<vmem>>, vector<16xf32>,
        %add3A_164 = arith.addf %scan3A_145, %get3A_163 : vector<16xf32>
        scf.yield %add3A_149, %add3A_154, %add3A_159, %add3A_164 : vector<16xf32>, vector<16xf32>, vector<16xf32>, vector<16xf32>
      }
      %scan3A_140 = arith.constant 128 : i32
      scf.yield %scan3A_139#0, %scan3A_139#1, %scan3A_139#2, %scan3A_139#3 : vector<16xf32>, vector<16xf32>, vector<16xf32>, vector<16xf32>
    }
    %scan3A_18 = arith.constant 64 : i32
    %broadcast_in_dim3A_19 = arith.constant 15 : i32
    %broadcast_in_dim3A_20 = vector.broadcast %broadcast_in_dim3A_19 : i32 to vector<16x1xi32>
    %add3A_21 = arith.constant 8.192000e+03 : f32
    %add3A_22 = vector.broadcast %add3A_21 : f32 to vector<16xf32>
    %add3A_23 = arith.addf %add3A_22, %scan3A_17#0 : vector<16xf32>
    %add3A_24 = arith.constant 9.99999993E-9 : f32
    %add3A_25 = vector.broadcast %add3A_24 : f32 to vector<16xf32>
    %add3A_26 = arith.addf %add3A_23, %add3A_25 : vector<16xf32>
    %div3A = arith.divf %scan3A_17#0, %add3A_26 : vector<16xf32>
    %add3A_27 = arith.constant 8.192000e+03 : f32
    %add3A_28 = vector.broadcast %add3A_27 : f32 to vector<16xf32>
    %add3A_29 = arith.addf %add3A_28, %scan3A_17#1 : vector<16xf32>
    %add3A_30 = arith.constant 9.99999993E-9 : f32
    %add3A_31 = vector.broadcast %add3A_30 : f32 to vector<16xf32>
    %add3A_32 = arith.addf %add3A_29, %add3A_31 : vector<16xf32>
    %div3A_33 = arith.divf %scan3A_17#1, %add3A_32 : vector<16xf32>
    %add3A_34 = arith.constant 8.192000e+03 : f32
    %add3A_35 = vector.broadcast %add3A_34 : f32 to vector<16xf32>
    %add3A_36 = arith.addf %add3A_35, %scan3A_17#2 : vector<16xf32>
    %add3A_37 = arith.constant 9.99999993E-9 : f32
    %add3A_38 = vector.broadcast %add3A_37 : f32 to vector<16xf32>
    %add3A_39 = arith.addf %add3A_36, %add3A_38 : vector<16xf32>
    %div3A_40 = arith.divf %scan3A_17#2, %add3A_39 : vector<16xf32>
    %add3A_41 = arith.constant 8.192000e+03 : f32
    %add3A_42 = vector.broadcast %add3A_41 : f32 to vector<16xf32>
    %add3A_43 = arith.addf %add3A_42, %scan3A_17#3 : vector<16xf32>
    %add3A_44 = arith.constant 9.99999993E-9 : f32
    %add3A_45 = vector.broadcast %add3A_44 : f32 to vector<16xf32>
    %add3A_46 = arith.addf %add3A_43, %add3A_45 : vector<16xf32>
    %div3A_47 = arith.divf %scan3A_17#3, %add3A_46 : vector<16xf32>
    %max3A = arith.maximumf %div3A, %div3A_33 : vector<16xf32>
    %max3A_48 = arith.maximumf %div3A_40, %div3A_47 : vector<16xf32>
    %max3A_49 = arith.maximumf %max3A, %max3A_48 : vector<16xf32>
    %broadcast_in_dim3A_50 = arith.constant true
    %broadcast_in_dim3A_51 = vector.broadcast %broadcast_in_dim3A_50 : i1 to vector<16xi1>
    %masked_cummax3A = tpu.scan <max>, %max3A_49 masked %broadcast_in_dim3A_51 : vector<16xf32>, vector<16xi1> -> vector<16xf32>
    %gather3A = vector.shape_cast %broadcast_in_dim3A_20 : vector<16x1xi32> to vector<16xi32>
    %gather3A_52 = tpu.dynamic_gather %masked_cummax3A[%gather3A] in [0] : vector<16xf32>, vector<16xi32> -> vector<16xf32>
    %iota3A = tpu.iota {dimensions = array<i32: 0>} : vector<16xi32>
    %broadcast_in_dim3A_53 = arith.constant 1048576 : i32
    %broadcast_in_dim3A_54 = vector.broadcast %broadcast_in_dim3A_53 : i32 to vector<16xi32>
    %eq3A = arith.cmpf oeq, %div3A, %gather3A_52 : vector<16xf32>
    %add3A_55 = arith.constant 0 : i32
    %add3A_56 = vector.broadcast %add3A_55 : i32 to vector<16xi32>
    %add3A_57 = arith.addi %iota3A, %add3A_56 : vector<16xi32>
    %select_n3A = arith.select %eq3A, %add3A_57, %broadcast_in_dim3A_54 : vector<16xi1>, vector<16xi32>
    %eq3A_58 = arith.cmpf oeq, %div3A_33, %gather3A_52 : vector<16xf32>
    %add3A_59 = arith.constant 16 : i32
    %add3A_60 = vector.broadcast %add3A_59 : i32 to vector<16xi32>
    %add3A_61 = arith.addi %iota3A, %add3A_60 : vector<16xi32>
    %select_n3A_62 = arith.select %eq3A_58, %add3A_61, %broadcast_in_dim3A_54 : vector<16xi1>, vector<16xi32>
    %eq3A_63 = arith.cmpf oeq, %div3A_40, %gather3A_52 : vector<16xf32>
    %add3A_64 = arith.constant 32 : i32
    %add3A_65 = vector.broadcast %add3A_64 : i32 to vector<16xi32>
    %add3A_66 = arith.addi %iota3A, %add3A_65 : vector<16xi32>
    %select_n3A_67 = arith.select %eq3A_63, %add3A_66, %broadcast_in_dim3A_54 : vector<16xi1>, vector<16xi32>
    %eq3A_68 = arith.cmpf oeq, %div3A_47, %gather3A_52 : vector<16xf32>
    %add3A_69 = arith.constant 48 : i32
    %add3A_70 = vector.broadcast %add3A_69 : i32 to vector<16xi32>
    %add3A_71 = arith.addi %iota3A, %add3A_70 : vector<16xi32>
    %select_n3A_72 = arith.select %eq3A_68, %add3A_71, %broadcast_in_dim3A_54 : vector<16xi1>, vector<16xi32>
    %min3A = arith.minsi %select_n3A, %select_n3A_62 : vector<16xi32>
    %min3A_73 = arith.minsi %select_n3A_67, %select_n3A_72 : vector<16xi32>
    %min3A_74 = arith.minsi %min3A, %min3A_73 : vector<16xi32>
    %neg3A = arith.constant 0 : i32
    %neg3A_75 = vector.broadcast %neg3A : i32 to vector<16xi32>
    %neg3A_76 = arith.subi %neg3A_75, %min3A_74 : vector<16xi32>
    %broadcast_in_dim3A_77 = arith.constant true
    %broadcast_in_dim3A_78 = vector.broadcast %broadcast_in_dim3A_77 : i1 to vector<16xi1>
    %masked_cummax3A_79 = arith.constant -2147483648 : i32
    %masked_cummax3A_80 = vector.broadcast %masked_cummax3A_79 : i32 to vector<16xi32>
    %masked_cummax3A_81 = arith.xori %neg3A_76, %masked_cummax3A_80 : vector<16xi32>
    %masked_cummax3A_82 = tpu.scan <max>, %masked_cummax3A_81 masked %broadcast_in_dim3A_78 : vector<16xi32>, vector<16xi1> -> vector<16xi32>
    %masked_cummax3A_83 = arith.xori %masked_cummax3A_82, %masked_cummax3A_80 : vector<16xi32>
    %gather3A_84 = vector.shape_cast %broadcast_in_dim3A_20 : vector<16x1xi32> to vector<16xi32>
    %gather3A_85 = tpu.dynamic_gather %masked_cummax3A_83[%gather3A_84] in [0] : vector<16xi32>, vector<16xi32> -> vector<16xi32>
    %neg3A_86 = arith.constant 0 : i32
    %neg3A_87 = vector.broadcast %neg3A_86 : i32 to vector<16xi32>
    %neg3A_88 = arith.subi %neg3A_87, %gather3A_85 : vector<16xi32>
    %sub3A = arith.constant 1.000000e-01 : f32
    %sub3A_89 = vector.broadcast %sub3A : f32 to vector<16xf32>
    %sub3A_90 = arith.subf %gather3A_52, %sub3A_89 : vector<16xf32>
    %mul3A_91 = arith.constant 5.000000e+01 : f32
    %mul3A_92 = vector.broadcast %mul3A_91 : f32 to vector<16xf32>
    %mul3A_93 = arith.mulf %sub3A_90, %mul3A_92 : vector<16xf32>
    %neg3A_94 = arith.constant 0.000000e+00 : f32
    %neg3A_95 = vector.broadcast %neg3A_94 : f32 to vector<16xf32>
    %neg3A_96 = arith.subf %neg3A_95, %mul3A_93 : vector<16xf32>
    %exp3A = math.exp %neg3A_96 : vector<16xf32>
    %add3A_97 = arith.constant 1.000000e+00 : f32
    %add3A_98 = vector.broadcast %add3A_97 : f32 to vector<16xf32>
    %add3A_99 = arith.addf %add3A_98, %exp3A : vector<16xf32>
    %div3A_100 = arith.constant 1.000000e+00 : f32
    %div3A_101 = vector.broadcast %div3A_100 : f32 to vector<16xf32>
    %div3A_102 = arith.divf %div3A_101, %add3A_99 : vector<16xf32>
    %swap3A = arith.constant 0 : index
    %swap3A_103 = tpu.vector_load %arg9[%swap3A] {strides = array<i32>} : memref<64xf32, #tpu.memory_space<vmem>>, vector<16xf32>,
    tpu.vector_store %arg9[%swap3A], %div3A {strides = array<i32>} : memref<64xf32, #tpu.memory_space<vmem>>, vector<16xf32>,
    %swap3A_104 = arith.constant 16 : index
    %swap3A_105 = tpu.vector_load %arg9[%swap3A_104] {strides = array<i32>} : memref<64xf32, #tpu.memory_space<vmem>>, vector<16xf32>,
    tpu.vector_store %arg9[%swap3A_104], %div3A_33 {strides = array<i32>} : memref<64xf32, #tpu.memory_space<vmem>>, vector<16xf32>,
    %swap3A_106 = arith.constant 32 : index
    %swap3A_107 = tpu.vector_load %arg9[%swap3A_106] {strides = array<i32>} : memref<64xf32, #tpu.memory_space<vmem>>, vector<16xf32>,
    tpu.vector_store %arg9[%swap3A_106], %div3A_40 {strides = array<i32>} : memref<64xf32, #tpu.memory_space<vmem>>, vector<16xf32>,
    %swap3A_108 = arith.constant 48 : index
    %swap3A_109 = tpu.vector_load %arg9[%swap3A_108] {strides = array<i32>} : memref<64xf32, #tpu.memory_space<vmem>>, vector<16xf32>,
    tpu.vector_store %arg9[%swap3A_108], %div3A_47 {strides = array<i32>} : memref<64xf32, #tpu.memory_space<vmem>>, vector<16xf32>,
    %swap3A_110 = arith.constant 0 : index
    %swap3A_111 = tpu.vector_load %arg10[%swap3A_110] {strides = array<i32>} : memref<16xi32, #tpu.memory_space<vmem>>, vector<16xi32>,
    tpu.vector_store %arg10[%swap3A_110], %neg3A_88 {strides = array<i32>} : memref<16xi32, #tpu.memory_space<vmem>>, vector<16xi32>,
    %swap3A_112 = arith.constant 0 : index
    %swap3A_113 = tpu.vector_load %arg11[%swap3A_112] {strides = array<i32>} : memref<16xf32, #tpu.memory_space<vmem>>, vector<16xf32>,
    tpu.vector_store %arg11[%swap3A_112], %div3A_102 {strides = array<i32>} : memref<16xf32, #tpu.memory_space<vmem>>, vector<16xf32>,
    "tpu.region"() ({
      %run_scoped3A = tpu.sem_alloc : memref<!tpu.dma_semaphore, #tpu.memory_space<semaphore_mem>>
      %dma_start3A_114 = arith.constant 0 : i32
      %dma_start3A_115 = tpu.memref_slice %arg4[%add3A, %dma_start3A_114] : memref<32x64xf32, #tpu.memory_space<hbm>> -> memref<1x64xf32, #tpu.memory_space<hbm>>
      %dma_start3A_116 = tpu.memref_squeeze %dma_start3A_115 : memref<1x64xf32, #tpu.memory_space<hbm>> -> memref<64xf32, #tpu.memory_space<hbm>>
      %dma_start3A_117 = arith.constant 0 : i32
      %dma_start3A_118 = tpu.memref_slice %arg4[%add3A, %dma_start3A_117] : memref<32x64xf32, #tpu.memory_space<hbm>> -> memref<1x64xf32, #tpu.memory_space<hbm>>
      %dma_start3A_119 = tpu.memref_squeeze %dma_start3A_118 : memref<1x64xf32, #tpu.memory_space<hbm>> -> memref<64xf32, #tpu.memory_space<hbm>>
      tpu.enqueue_dma source(%arg9 : memref<64xf32, #tpu.memory_space<vmem>>) target(%dma_start3A_119 : memref<64xf32, #tpu.memory_space<hbm>>) target_semaphore(%run_scoped3A : memref<!tpu.dma_semaphore, #tpu.memory_space<semaphore_mem>>)
      %dma_wait3A = arith.constant 0 : i32
      %dma_wait3A_120 = tpu.memref_slice %arg4[%add3A, %dma_wait3A] : memref<32x64xf32, #tpu.memory_space<hbm>> -> memref<1x64xf32, #tpu.memory_space<hbm>>
      %dma_wait3A_121 = tpu.memref_squeeze %dma_wait3A_120 : memref<1x64xf32, #tpu.memory_space<hbm>> -> memref<64xf32, #tpu.memory_space<hbm>>
      %dma_wait3A_122 = arith.constant 0 : i32
      %dma_wait3A_123 = tpu.memref_slice %arg4[%add3A, %dma_wait3A_122] : memref<32x64xf32, #tpu.memory_space<hbm>> -> memref<1x64xf32, #tpu.memory_space<hbm>>
      %dma_wait3A_124 = tpu.memref_squeeze %dma_wait3A_123 : memref<1x64xf32, #tpu.memory_space<hbm>> -> memref<64xf32, #tpu.memory_space<hbm>>
      tpu.wait_dma2 semaphore(%run_scoped3A : memref<!tpu.dma_semaphore, #tpu.memory_space<semaphore_mem>>) src(%arg9 : memref<64xf32, #tpu.memory_space<vmem>>) dst(%dma_wait3A_124 : memref<64xf32, #tpu.memory_space<hbm>>)
      tpu.yield
    }) : () -> ()
    "tpu.region"() ({
      %run_scoped3A = tpu.sem_alloc : memref<!tpu.dma_semaphore, #tpu.memory_space<semaphore_mem>>
      %dma_start3A_114 = arith.constant 0 : i32
      %dma_start3A_115 = tpu.memref_slice %arg5[%add3A, %dma_start3A_114] : memref<32x16xi32, #tpu.memory_space<hbm>> -> memref<1x16xi32, #tpu.memory_space<hbm>>
      %dma_start3A_116 = tpu.memref_squeeze %dma_start3A_115 : memref<1x16xi32, #tpu.memory_space<hbm>> -> memref<16xi32, #tpu.memory_space<hbm>>
      %dma_start3A_117 = arith.constant 0 : i32
      %dma_start3A_118 = tpu.memref_slice %arg5[%add3A, %dma_start3A_117] : memref<32x16xi32, #tpu.memory_space<hbm>> -> memref<1x16xi32, #tpu.memory_space<hbm>>
      %dma_start3A_119 = tpu.memref_squeeze %dma_start3A_118 : memref<1x16xi32, #tpu.memory_space<hbm>> -> memref<16xi32, #tpu.memory_space<hbm>>
      tpu.enqueue_dma source(%arg10 : memref<16xi32, #tpu.memory_space<vmem>>) target(%dma_start3A_119 : memref<16xi32, #tpu.memory_space<hbm>>) target_semaphore(%run_scoped3A : memref<!tpu.dma_semaphore, #tpu.memory_space<semaphore_mem>>)
      %dma_wait3A = arith.constant 0 : i32
      %dma_wait3A_120 = tpu.memref_slice %arg5[%add3A, %dma_wait3A] : memref<32x16xi32, #tpu.memory_space<hbm>> -> memref<1x16xi32, #tpu.memory_space<hbm>>
      %dma_wait3A_121 = tpu.memref_squeeze %dma_wait3A_120 : memref<1x16xi32, #tpu.memory_space<hbm>> -> memref<16xi32, #tpu.memory_space<hbm>>
      %dma_wait3A_122 = arith.constant 0 : i32
      %dma_wait3A_123 = tpu.memref_slice %arg5[%add3A, %dma_wait3A_122] : memref<32x16xi32, #tpu.memory_space<hbm>> -> memref<1x16xi32, #tpu.memory_space<hbm>>
      %dma_wait3A_124 = tpu.memref_squeeze %dma_wait3A_123 : memref<1x16xi32, #tpu.memory_space<hbm>> -> memref<16xi32, #tpu.memory_space<hbm>>
      tpu.wait_dma2 semaphore(%run_scoped3A : memref<!tpu.dma_semaphore, #tpu.memory_space<semaphore_mem>>) src(%arg10 : memref<16xi32, #tpu.memory_space<vmem>>) dst(%dma_wait3A_124 : memref<16xi32, #tpu.memory_space<hbm>>)
      tpu.yield
    }) : () -> ()
    "tpu.region"() ({
      %run_scoped3A = tpu.sem_alloc : memref<!tpu.dma_semaphore, #tpu.memory_space<semaphore_mem>>
      %dma_start3A_114 = arith.constant 0 : i32
      %dma_start3A_115 = tpu.memref_slice %arg6[%add3A, %dma_start3A_114] : memref<32x16xf32, #tpu.memory_space<hbm>> -> memref<1x16xf32, #tpu.memory_space<hbm>>
      %dma_start3A_116 = tpu.memref_squeeze %dma_start3A_115 : memref<1x16xf32, #tpu.memory_space<hbm>> -> memref<16xf32, #tpu.memory_space<hbm>>
      %dma_start3A_117 = arith.constant 0 : i32
      %dma_start3A_118 = tpu.memref_slice %arg6[%add3A, %dma_start3A_117] : memref<32x16xf32, #tpu.memory_space<hbm>> -> memref<1x16xf32, #tpu.memory_space<hbm>>
      %dma_start3A_119 = tpu.memref_squeeze %dma_start3A_118 : memref<1x16xf32, #tpu.memory_space<hbm>> -> memref<16xf32, #tpu.memory_space<hbm>>
      tpu.enqueue_dma source(%arg11 : memref<16xf32, #tpu.memory_space<vmem>>) target(%dma_start3A_119 : memref<16xf32, #tpu.memory_space<hbm>>) target_semaphore(%run_scoped3A : memref<!tpu.dma_semaphore, #tpu.memory_space<semaphore_mem>>)
      %dma_wait3A = arith.constant 0 : i32
      %dma_wait3A_120 = tpu.memref_slice %arg6[%add3A, %dma_wait3A] : memref<32x16xf32, #tpu.memory_space<hbm>> -> memref<1x16xf32, #tpu.memory_space<hbm>>
      %dma_wait3A_121 = tpu.memref_squeeze %dma_wait3A_120 : memref<1x16xf32, #tpu.memory_space<hbm>> -> memref<16xf32, #tpu.memory_space<hbm>>
      %dma_wait3A_122 = arith.constant 0 : i32
      %dma_wait3A_123 = tpu.memref_slice %arg6[%add3A, %dma_wait3A_122] : memref<32x16xf32, #tpu.memory_space<hbm>> -> memref<1x16xf32, #tpu.memory_space<hbm>>
      %dma_wait3A_124 = tpu.memref_squeeze %dma_wait3A_123 : memref<1x16xf32, #tpu.memory_space<hbm>> -> memref<16xf32, #tpu.memory_space<hbm>>
      tpu.wait_dma2 semaphore(%run_scoped3A : memref<!tpu.dma_semaphore, #tpu.memory_space<semaphore_mem>>) src(%arg11 : memref<16xf32, #tpu.memory_space<vmem>>) dst(%dma_wait3A_124 : memref<16xf32, #tpu.memory_space<hbm>>)
      tpu.yield
    }) : () -> ()
    return
  }
}

module attributes {stable_mosaic.version = 14 : i64} {
  func.func @_transpose_body(%arg0: i32, %arg1: memref<64x8192xf32, #tpu.memory_space<vmem>>, %arg2: memref<8192x64xf32, #tpu.memory_space<vmem>>) attributes {dimension_semantics = [#tpu.dimension_semantics<arbitrary>], iteration_bounds = array<i64: 62>, scalar_prefetch = 0 : i64, scratch_operands = 0 : i64, tpu.core_type = #tpu.core_type<tc>, window_params = [{transform_indices = @transform_0, window_bounds = array<i64: 64, 8192>}, {transform_indices = @transform_1, window_bounds = array<i64: 8192, 64>}]} {
    %get3A = arith.constant 0 : index
    %get3A_0 = arith.constant 0 : index
    %get3A_1 = vector.load %arg1[%get3A, %get3A_0] : memref<64x8192xf32, #tpu.memory_space<vmem>>, vector<64x8192xf32>
    %transpose3A = tpu.transpose %get3A_1, [1, 0] : vector<64x8192xf32> -> vector<8192x64xf32>
    %swap3A = arith.constant 0 : index
    %swap3A_2 = arith.constant 0 : index
    %swap3A_3 = vector.load %arg2[%swap3A, %swap3A_2] : memref<8192x64xf32, #tpu.memory_space<vmem>>, vector<8192x64xf32>
    tpu.vector_store %arg2[%swap3A, %swap3A_2], %transpose3A {strides = array<i32>} : memref<8192x64xf32, #tpu.memory_space<vmem>>, vector<8192x64xf32>,
    return
  }
  func.func @transform_0(%arg0: i32) -> (i32, i32) {
    %c0_i32 = arith.constant 0 : i32
    %c0_i32_0 = arith.constant 0 : i32
    return %c0_i32, %arg0 : i32, i32
  }
  func.func @transform_1(%arg0: i32) -> (i32, i32) {
    %c0_i32 = arith.constant 0 : i32
    %c0_i32_0 = arith.constant 0 : i32
    return %arg0, %c0_i32 : i32, i32
  }
}

</mosaic_0001>

<sc_bundles>
// kernel: kernel.5.cloned.1.call-start
scs
__scs_entry_jumppad:
0x0: {  	(pc) =	sbr.rel $0x88, $3  }
0x1: {  	(tag) =	ssettag $0x0;
	lr =	simm.s32 $0x1  }
0x2: {  	[smem:$0x3F9E] =	sst lr;
	_ =	strace $0xD0000000  }
0x3: {  	_ = 	snop  }
0x4: {  	_ = 	snop  }
0x5: {  	_ = 	snop  }
0x6: {  	_ = 	snop  }
0x7: {  	_ = 	snop  }
__scs_overlays_trampoline_lowered:
0x8: {  	[smem:$0x3FAD] =	sst s0  }
0x9: {  	[smem:$0x3FAE] =	sst s1  }
0xa: {  	[smem:$0x3FAF] =	sst s2  }
0xb: {  	[smem:$0x3FB0] =	sst s3  }
0xc: {  	[smem:$0x3FB1] =	sst s4  }
0xd: {  	[smem:$0x3FB2] =	sst s5  }
0xe: {  	[smem:$0x3FB3] =	sst s6  }
0xf: {  	[smem:$0x3FB4] =	sst s7  }
0x10: {  	[smem:$0x3FB5] =	sst s8  }
0x11: {  	[smem:$0x3FB6] =	sst s9;
	s0 =	simm.s32 @!p0 $0x0  }
0x12: {  	s1 =	sld [smem:$0x3F9C];
	s0 =	simm.s32 @p0 $0x1  }
0x13: {  	[smem:$0x3FB7] =	sst s0;
	s0 =	simm.s32 @!p1 $0x0  }
0x14: {  	s2 =	sld [smem:$0x3F9B];
	s0 =	simm.s32 @p1 $0x1  }
0x15: {  	[smem:$0x3FB8] =	sst s0;
	s0 =	simm.s32 @!p2 $0x0  }
0x16: {  	s3 =	sld [smem:$0x3FDB];
	s0 =	simm.s32 @p2 $0x1  }
0x17: {  	s4 =	simm.s32 $0x1BF5;
	[smem:$0x3FBA] =	sst s0  }
0x18: {  	s0 =	sld [smem:$0x3F9D];
	_ =	swait.ge [sflag:s4], $0x0  }
0x19: {  	s7 =	sld [smem:$0x3F9E]  }
0x1a: {  	s8 =	sadd.s32 $0xFFFFE003, lr  }
0x1b: {  	s9 =	sadd.s32 $0xFFFFFEF7, lr;
	s5 =	simm.s32 $0xFFFFFFFF;
	p2 =	slt.u32 s8, $0xFFFFF086  }
0x1c: {  	p1 =	slt.u32 s9, $0xF7A;
	s5 =	simm.s32 @!p2 $0x0  }
0x1d: {  	s5 =	simm.s32 @p1 $0x1;
	p0 =	seq.s32 s7, s2  }
0x1e: {  	s7 =	smul.u32 @!p0 $0xF7A, s2;
	p2 =	seq.s32 @!p0 s5, $0x0  }
0x1f: {  	s9 =	smul.u32 $0xF7A, s1;
	s8 =	simm.s32 @!p0 $0x1BF5;
	p2 =	por !p2, p0  }
0x20: {  	[sflag:s8] =	ssyncset.s32 @!p0 $0xFFFFF086;
	s6 =	sadd.s32 @!p0 s3, s7;
	s7 =	simm.s32 @!p0 $0x108  }
0x21: {  	s3 =	sadd.s32 s3, s9;
	s6 =	sadd.s32 @!p0 $0x88, s6;
	s7 =	simm.s32 @p2 $0x1082  }
0x22: {  	[simem:s7], [sflag:s8] =	dma.local @!p0 [hbm:s6], $0xF7A  }
0x23: {  	s9 =	sor.u32 $0xD0000000, s2;
	s6 =	simm.s32 $0x108;
	_ =	swait.ge @!p0 [sflag:s8], $0x0  }
0x24: {  	s3 =	sadd.s32 $0x88, s3;
	s6 =	simm.s32 @!p1 $0x1082;
	[sflag:s4] =	ssyncset.s32 $0xFFFFF086  }
0x25: {  	[simem:s6], [sflag:s4] =	dma.local [hbm:s3], $0xF7A  }
0x26: {  	[smem:$0x3F9E] =	sst s1;
	(tag) =	ssettag s2;
	_ =	strace s9  }
0x27: {  	s1 =	sld [smem:$0x3FAE]  }
0x28: {  	s2 =	sld [smem:$0x3FAF]  }
0x29: {  	s4 =	sld [smem:$0x3FB1]  }
0x2a: {  	p0 =	seq.s32 s5, $0x0;
	s5 =	sld [smem:$0x3FB2]  }
0x2b: {  	s6 =	sld [smem:$0x3FB3]  }
0x2c: {  	s7 =	sld [smem:$0x3FB4]  }
0x2d: {  	s3 =	simm.s32 $0x108;
	s8 =	sld [smem:$0x3FB5]  }
0x2e: {  	s3 =	simm.s32 @!p0 $0x1082;
	s9 =	sld [smem:$0x3FB6]  }
0x2f: {  	lr =	sadd.s32 s0, s3;
	s0 =	sld [smem:$0x3FAD]  }
0x30: {  	s3 =	sld [smem:$0x3FB0]  }
0x31: {  	[smem:$0x3FB9] =	sst s10  }
0x32: {  	s10 =	sld [smem:$0x3FB7];
	_ =	sdelay $0x3  }
0x33: {  	p0 =	seq.s32 s10, $0x1;
	s10 =	sld [smem:$0x3FB9];
	_ =	sdelay $0x3  }
0x34: {  	[smem:$0x3FB9] =	sst s10  }
0x35: {  	s10 =	sld [smem:$0x3FB8];
	_ =	sdelay $0x3  }
0x36: {  	p1 =	seq.s32 s10, $0x1;
	s10 =	sld [smem:$0x3FB9];
	_ =	sdelay $0x3  }
0x37: {  	[smem:$0x3FB9] =	sst s10  }
0x38: {  	s10 =	sld [smem:$0x3FBA]  }
0x39: {  	_ = 	snop;
	(pc) =	sbr.ind lr, $3  }
0x3a: {  	_ = 	snop  }
0x3b: {  	_ = 	snop  }
0x3c: {  	p2 =	seq.s32 s10, $0x1;
	s10 =	sld [smem:$0x3FB9]  }
0x3d: {  	_ =	shalt  }
0x3e: {  	_ =	shalt  }
0x3f: {  	_ =	shalt  }
0x40: {  	_ =	shalt  }
0x41: {  	_ =	shalt  }
0x42: {  	_ =	shalt  }
0x43: {  	_ =	shalt  }
0x44: {  	_ =	shalt  }
0x45: {  	_ =	shalt  }
0x46: {  	_ =	shalt  }
0x47: {  	_ =	shalt  }
0x48: {  	_ =	shalt  }
0x49: {  	_ =	shalt  }
0x4a: {  	_ =	shalt  }
0x4b: {  	_ =	shalt  }
0x4c: {  	_ =	shalt  }
0x4d: {  	_ =	shalt  }
0x4e: {  	_ =	shalt  }
0x4f: {  	_ =	shalt  }
0x50: {  	_ =	shalt  }
0x51: {  	_ =	shalt  }
0x52: {  	_ =	shalt  }
0x53: {  	_ =	shalt  }
0x54: {  	_ =	shalt  }
0x55: {  	_ =	shalt  }
0x56: {  	_ =	shalt  }
0x57: {  	_ =	shalt  }
0x58: {  	_ =	shalt  }
0x59: {  	_ =	shalt  }
0x5a: {  	_ =	shalt  }
0x5b: {  	_ =	shalt  }
0x5c: {  	_ =	shalt  }
0x5d: {  	_ =	shalt  }
0x5e: {  	_ =	shalt  }
0x5f: {  	_ =	shalt  }
0x60: {  	_ =	shalt  }
0x61: {  	_ =	shalt  }
0x62: {  	_ =	shalt  }
0x63: {  	_ =	shalt  }
0x64: {  	_ =	shalt  }
0x65: {  	_ =	shalt  }
0x66: {  	_ =	shalt  }
0x67: {  	_ =	shalt  }
0x68: {  	_ =	shalt  }
0x69: {  	_ =	shalt  }
0x6a: {  	_ =	shalt  }
0x6b: {  	_ =	shalt  }
0x6c: {  	_ =	shalt  }
0x6d: {  	_ =	shalt  }
0x6e: {  	_ =	shalt  }
0x6f: {  	_ =	shalt  }
0x70: {  	_ =	shalt  }
0x71: {  	_ =	shalt  }
0x72: {  	_ =	shalt  }
0x73: {  	_ =	shalt  }
0x74: {  	_ =	shalt  }
0x75: {  	_ =	shalt  }
0x76: {  	_ =	shalt  }
0x77: {  	_ =	shalt  }
0x78: {  	_ =	shalt  }
0x79: {  	_ =	shalt  }
0x7a: {  	_ =	shalt  }
0x7b: {  	_ =	shalt  }
0x7c: {  	_ =	shalt  }
0x7d: {  	_ =	shalt  }
0x7e: {  	_ =	shalt  }
0x7f: {  	_ =	shalt  }
0x80: {  	_ =	shalt  }
0x81: {  	_ =	shalt  }
0x82: {  	_ =	shalt  }
0x83: {  	_ =	shalt  }
0x84: {  	_ =	shalt  }
0x85: {  	_ =	shalt  }
0x86: {  	_ =	shalt  }
0x87: {  	_ =	shalt  }
.Lfunc_end0:
.L_simem_size_0:
called_computation_lowered:
.L_overlay_start_0:
0x88: {  	s2 =	sld [smem:$0x3FD9]  }
0x89: {  	s3 =	sld [smem:$0x3FFE];
	_ =	sdelay $0x1  }
0x8a: {  	s1 =	srdreg.scid  }
0x8b: {  	s0 =	sand.u32 $0x1, s1  }
0x8c: {  	s14 =	sshll.u32 s0, $0xA;
	s2 =	sadd.s32 s3, s2  }
0x8d: {  	s2 =	sadd.s32 s2, s14  }
0x8e: {  	[smem:$0x3FC5] =	sst s2  }
0x8f: {  	_ = 	snop  }
0x90: {  	s2 =	sld [smem:$0x3FD0];
	_ =	sdelay $0x2  }
0x91: {  	s15 =	simm.s32 $0xA;
	s4 =	simm.s32 $0x10  }
0x92: {  	[smem:s4], [sflag:s15] =	dma.local [hbm:s2], $0x1  }
0x93: {  	_ =	swait.eq [sflag:s15], $0x1  }
0x94: {  	[sflag:s15] =	ssyncset.done $0x0  }
0x95: {  	s16 =	sld [smem:$0x10];
	[sflag:s15] =	ssyncadd.s32 $0xFFFFFFFF  }
0x96: {  	s17 =	sld [smem:$0x11];
	(tm) =	ssettm $0x1  }
0x97: {  	s18 =	sld [smem:$0x3FFB];
	_ =	sdelay $0x3  }
0x98: {  	_ =	strace s18  }
0x99: {  	s4 =	sld [smem:$0x3FFC];
	_ =	sdelay $0x3  }
0x9a: {  	_ =	strace s4  }
0x9b: {  	s4 =	sld [smem:$0x3FFD];
	_ =	sdelay $0x3  }
0x9c: {  	_ =	strace s4  }
0x9d: {  	_ =	strace $0x8FFFFFFF  }
0x9e: {  	s19 =	sld [smem:$0x3FDB];
	_ =	sdelay $0x1  }
0x9f: {  	s5 =	simm.s32 $_scs_section_size  }
0xa0: {  	s6 =	simm.s32 $_size__tile_overlayer_lowered;
	s7 =	simm.s32 $_tile_overlayer_lowered  }
0xa1: {  	s22 =	simm.s32 $0x1BFF;
	s21 =	sshll.u32 s7, $0x1;
	s4 =	sadd.s32 s5, s19  }
0xa2: {  	s8 =	simm.s32 $0x0;
	s20 =	sshll.u32 s6, $0x1;
	s6 =	sadd.s32 s21, s4  }
0xa3: {  	[timem:s8], [sflag:s22] =	dma.local [hbm:s6], s20  }
0xa4: {  	_ =	swait.ge [sflag:s22], s20  }
0xa5: {  	s5 =	ssub.s32 $0x0, s20;
	[sflag:s22] =	ssyncset.done $0x0  }
0xa6: {  	[sflag:s22] =	ssyncadd.s32 s5;
	_ =	sdelay $0x1  }
0xa7: {  	s23 =	simm.s32 $0x1B8B  }
0xa8: {  	_ =	swait.ge [sflag:s23], $0x1  }
0xa9: {  	[sflag:s23] =	ssyncset.done $0x0  }
0xaa: {  	s25 =	simm.s32 $0x1B8E;
	s24 =	sld [smem:$0x3FFE];
	[sflag:s23] =	ssyncadd.s32 $0xFFFFFFFF  }
0xab: {  	s26 =	simm.s32 $execute0_lowered;
	[smem:$0x3FD2] =	sst s25  }
0xac: {  	s6 =	sshll.u32 s26, $0x1;
	_ =	strace $0x80000046;
	[dreg:$0x1] =	wrdreg $0xFFFFFFFF  }
0xad: {  	s28 =	simm.s32 $_size_execute0_lowered;
	s4 =	sadd.s32 s4, s6;
	[dreg:$0x0] =	wrdreg $0x0  }
0xae: {  	s6 =	sshll.u32 s28, $0x1;
	[dreg:$0x2] =	wrdreg s4  }
0xaf: {  	[dreg:$0x3] =	wrdreg s6  }
0xb0: {  	[dreg:$0x4] =	wrdreg $0xC0  }
0xb1: {  	_ =	task [dreg:s8], $0x5FFFF  }
0xb2: {  	[dreg:$0x1] =	wrdreg $0xFFFFFFFF  }
0xb3: {  	[dreg:$0x0] =	wrdreg $0x60  }
0xb4: {  	[dreg:$0x2] =	wrdreg s16  }
0xb5: {  	[dreg:$0x3] =	wrdreg s24  }
0xb6: {  	[dreg:$0x4] =	wrdreg s17  }
0xb7: {  	[dreg:$0x5] =	wrdreg $0x9  }
0xb8: {  	_ =	task.clear_ibuf [dreg:s8], $0x6FFFF;
	_ =	strace $0x90000046  }
0xb9: {  	s29 =	simm.s32 $0x9;
	_ =	strace $0x80000048  }
0xba: {  	_ =	swait.ge [sflag:s29], $0x1  }
0xbb: {  	[sflag:s29] =	ssyncadd.s32 $0xFFFFFFFF  }
0xbc: {  	_ =	strace $0x90000048  }
0xbd: {  	_ =	sfence  }
0xbe: {  	s30 =	sld [smem:$0x0];
	_ =	sdelay $0x2  }
0xbf: {  	s31 =	sshll.u32 s1, $0xD;
	s1 =	sshrl.u32 s1, $0x2  }
0xc0: {  	s3 =	sand.u32 $0x4000, s31;
	s1 =	sadd.s32 s1, s30  }
0xc1: {  	s0 =	sor.u32 s3, s0;
	s1 =	sshll.u32 s1, $0x11  }
0xc2: {  	s0 =	sor.u32 s1, s0  }
0xc3: {  	s0 =	sadd.s32 $0x8F2B, s0  }
0xc4: {  	[sflag:s0] =	ssyncadd.remote.s32 $0x1  }
0xc5: {  	_ =	sfence.sel $0xFFFF  }
0xc6: {  	[dreg:$0x0] =	wrdreg $0xFFFFFFFF;
	(pc) =	sbr.abs _section_cstart, $3  }
0xc7: {  	[dreg:$0x1] =	wrdreg $0xFFFFFFFF  }
0xc8: {  	_ =	task.clear_ibuf [dreg:s8], $0x2FFFF;
	_ =	strace $0x9FFFFFFF  }
0xc9: {  	(tm) =	ssettm $0x7FFFFFFF  }
tec
execute0_lowered:
.L_overlay_start_1:
0x0: {  	(tag) =	ssettag $0x1  }
0x1: {  	s1 =	rddreg [dreg:$0x0]  }
0x2: {  	s4 =	rddreg [dreg:$0x1]  }
0x3: {  	s5 =	rddreg [dreg:$0x2]  }
0x4: {  	s0 =	rddreg [dreg:$0x3];
	s6 =	srdreg.scid  }
0x5: {  	s2 =	stileid.u32;
	s3 =	simm.s32 $0x0;
	s11 =	simm.s32 $0x2000  }
0x6: {  	s12 =	simm.s32 $0x6000;
	s13 =	simm.s32 $0x6040;
	s14 =	simm.s32 $0x6050  }
0x7: {  	s6 =	sand.u32 $0x1, s6;
	s7 =	sshll.u32 s2, $0x1;
	[smem:$0x7FF] =	sst s3  }
0x8: {  	s15 =	simm.s32 $0x0;
	s7 =	sor.u32 s6, s7;
	_ =	strace $0x80000047  }
0x9: {  	v0 =	vlaneseq.u32;
	s6 =	ssub.s32 $0x2, s6;
	s8 =	sshll.u32 s7, $0xA;
	s9 =	sshll.u32 s7, $0x1  }
0xa: {  	v4 =	vmul.u32 $0xFFFFFFFF, v0;
	s10 =	sshrl.u32 s6, $0x1;
	s31 =	sshll.u32 s7, $0x3;
	s8 =	sadd.s32 s8, s4  }
0xb: {  	s9 =	sadd.s32 s9, s4;
	s10 =	ssub.s32 s6, s10;
	s5 =	sadd.s32 s5, s31  }
0xc: {  	v2 =	vimm.s32 $0xF;
	v0 =	vadd.s32 $0x7FFFFFD0, v4;
	s4 =	sadd.s32 $0x1200, s8;
	s6 =	sadd.s32 $0x9200, s9;
	s7 =	sadd.s32 $0x9400, s9  }
0xd: {  	v1 =	vadd.s32 $0x7FFFFFE0, v4;
	v3 =	vadd.s32 $0x7FFFFFF0, v4;
	v4 =	vadd.s32 $0x80000000, v4;
	s8 =	smax.u32 s10, $0x1;
	s9 =	simm.s32 $0x3;
	s10 =	simm.s32 $0x80  }
.LBB2_1:
0xe: {  	[tilespmem:s3], [sflag:$0x3] =	stream.linear.gather [hbm4b:s4+s3], $0x2000, $0x38;
	[tilespmem:$0x6060] =	vst v63  }
0xf: {  	_ =	swait.ge [sflag:s9], $0x2000  }
0x10: {  	[sflag:s9] =	ssyncset.done $0x0  }
0x11: {  	v5 =	vimm.f32 $0.0e+00;
	p0 =	por $0x0, $0x0;
	s16 =	simm.s32 $0x0;
	[sflag:s9] =	ssyncadd.s32 $0xFFFFE000  }
0x12: {  	v6 =	vimm.f32 $0.0e+00;
	v7 =	vimm.f32 $0.0e+00;
	v8 =	vimm.f32 $0.0e+00;
	[tilespmem:s11], [sflag:$0x1] =	stream.indirect.gather [hbm4b:s1+s10], $0x40, s3, s10, $0xb8;
	[tilespmem:$0x6060] =	vst v63  }
.LBB2_3:
0x13: {  	s18 =	simm.s32 $0x1  }
0x14: {  	s17 =	smov.u32 s16;
	s16 =	sadd.s32 $0x1, s16;
	s18 =	simm.s32 @!p0 $0x0  }
0x15: {  	p1 =	seq.s32 s17, $0x3F;
	s17 =	sand.u32 $0x1, s17;
	s18 =	sshll.u32 s18, $0xD  }
0x16: {  	s19 =	sand.u32 @!p1 $0x1, s16;
	s21 =	sshll.u32 @!p1 s16, $0x7;
	s22 =	simm.s32 @!p1 $0x80  }
0x17: {  	s17 =	sadd.s32 $0x1, s17;
	s18 =	sadd.s32 $0x2020, s18;
	s20 =	sshll.u32 @!p1 s19, $0xD  }
0x18: {  	s21 =	sand.u32 @!p1 $0x3FFFFF80, s21;
	s19 =	sadd.s32 @!p1 $0x1, s19;
	s20 =	sadd.s32 @!p1 $0x2000, s20;
	v9 =	vmov s18  }
0x19: {  	[tilespmem:s20], [sflag:s19] =	stream.indirect.gather @!p1 [hbm4b:s1+s22], $0x40, s21, s22, $0xb8;
	[tilespmem:$0x6060] =	vst v63  }
0x1a: {  	_ =	swait.ge [sflag:s17], $0x2000  }
0x1b: {  	[sflag:s17] =	ssyncset.done $0x0  }
0x1c: {  	s31 =	simm.s32 $0x0;
	[sflag:s17] =	ssyncadd.s32 $0xFFFFE000  }
0x1d: {  	v10 =	vld.idx.msk [tilespmem:v9+s31+$0x10 ss:$0x1], $0xffff  }
0x1e: {  	v11 =	vld.idx.msk [tilespmem:v9+s31+$0xFFFFFFE0 ss:$0x1], $0xffff  }
0x1f: {  	v12 =	vld.idx.msk [tilespmem:v9+s31+$0xFFFFFFF0 ss:$0x1], $0xffff  }
0x20: {  	s17 =	simm.s32 $0x100;
	v13 =	vld.idx.msk [tilespmem:v9+s31+$0x0 ss:$0x1], $0xffff  }
.LBB2_4:
0x21: {  	p1 =	seq.s32 s17, $0x7F00  }
.Ltmp0:
0x22: {  	s18 =	sshra.s32 s17, $0x2;
	s17 =	sadd.s32 $0x100, s17;
	(pc) =	sbr.rel @!p1 .LBB2_4-.Ltmp0, $4  }
0x23: {  	v5 =	vadd.f32 v10, v5;
	v10 =	vld.idx.msk [tilespmem:v9+s18+$0x10 ss:$0x1], $0xffff  }
0x24: {  	v8 =	vadd.f32 v11, v8;
	v11 =	vld.idx.msk [tilespmem:v9+s18+$0xFFFFFFE0 ss:$0x1], $0xffff  }
0x25: {  	v7 =	vadd.f32 v12, v7;
	v12 =	vld.idx.msk [tilespmem:v9+s18+$0xFFFFFFF0 ss:$0x1], $0xffff  }
0x26: {  	v6 =	vadd.f32 v13, v6;
	v13 =	vld.idx.msk [tilespmem:v9+s18+$0x0 ss:$0x1], $0xffff  }
0x27: {  	_ =	sdelay $0x2  }
0x28: {  	v5 =	vadd.f32 v10, v5;
	v8 =	vadd.f32 v11, v8  }
0x29: {  	v7 =	vadd.f32 v12, v7;
	v6 =	vadd.f32 v13, v6  }
0x2a: {  	p1 =	seq.s32 s16, $0x40  }
.Ltmp1:
0x2b: {  	_ = 	snop;
	(pc) =	sbr.rel @!p1 .LBB2_3-.Ltmp1, $2  }
0x2c: {  	_ =	sdelay $0x2  }
0x2d: {  	p0 =	por !p0, !p0  }
0x2e: {  	v9 =	vadd.f32 $8.192000000e+03, v8  }
0x2f: {  	v10 =	vadd.f32 $8.192000000e+03, v7  }
0x30: {  	v11 =	vadd.f32 $8.192000000e+03, v6;
	v9 =	vadd.f32 $9.999999930e-09, v9  }
0x31: {  	v12 =	vadd.f32 $8.192000000e+03, v5;
	v10 =	vadd.f32 $9.999999930e-09, v10  }
0x32: {  	v48 =	vadd.f32 $9.999999930e-09, v11;
	(erf) = vrcp.f32 v9  }
0x33: {  	v49 =	vadd.f32 $9.999999930e-09, v12;
	(erf) = vrcp.f32 v10  }
0x34: {  	(erf) = vrcp.f32 v48  }
0x35: {  	(erf) = vrcp.f32 v49;
	_ =	sdelay $0x5  }
0x36: {  	v50 =	vpop (erf)  }
0x37: {  	v51 =	vpop (erf)  }
0x38: {  	v52 =	vpop (erf)  }
0x39: {  	v53 =	vmul.f32 v50, v8;
	v7 =	vmul.f32 v51, v7;
	v54 =	vpop (erf)  }
0x3a: {  	v6 =	vmul.f32 v52, v6;
	v5 =	vmul.f32 v54, v5;
	_ =	sdelay $0x1  }
0x3b: {  	v55 =	vmax.f32 v53, v7;
	v56 =	vmax.f32 v6, v5  }
0x3c: {  	v9 =	vmax.f32 v55, v56  }
0x3d: {  	(xrf0) =	vmax.scan.msk.f32 $0xffff, v9;
	_ =	sdelay $0x5  }
0x3e: {  	v9, _, _ =	vpop (xrf0)  }
0x3f: {  	v9 =	vperm.xlane v9, v2;
	_ =	sdelay $0x1  }
0x40: {  	v57 =	vadd.f32 $-1.000000010e-01, v9;
	_ =	sdelay $0x1  }
0x41: {  	v10 =	vmul.f32 $-5.000000000e+01, v57;
	_ =	sdelay $0x1  }
0x42: {  	v10 =	vadd.f32 $0.0e+00, v10;
	_ =	sdelay $0x1  }
0x43: {  	v10 =	vmul.f32 $1.442695020e+00, v10;
	_ =	sdelay $0x1  }
0x44: {  	(erf) = vpow2.f32 v10;
	_ =	sdelay $0x4  }
0x45: {  	vm0 =	veq.f32 v5, v9  }
0x46: {  	vm1 =	veq.f32 v6, v9;
	v58 =	vnsel vm0, $0x7FF00000, v0  }
0x47: {  	vm14 =	veq.f32 v7, v9;
	v10 =	vsel vm1, v1, v58  }
0x48: {  	vm15 =	veq.f32 v53, v9;
	v59 =	vsel vm14, v3, v10  }
0x49: {  	v9 =	vsel vm15, v4, v59;
	v60 =	vpop (erf)  }
0x4a: {  	(xrf0) =	vmax.scan.msk.u32 $0xffff, v9;
	v61 =	vadd.f32 $1.000000000e+00, v60;
	_ =	sdelay $0x1  }
0x4b: {  	(erf) = vrcp.f32 v61;
	_ =	sdelay $0x3  }
0x4c: {  	v62, _, _ =	vpop (xrf0)  }
0x4d: {  	[tilespmem:$0x6000] =	vst v53;
	v9 =	vxor.u32 $0x80000000, v62  }
0x4e: {  	[tilespmem:$0x6010] =	vst v7;
	v63 =	vperm.xlane v9, v2  }
0x4f: {  	[tilespmem:$0x6020] =	vst v6  }
0x50: {  	[tilespmem:$0x6030] =	vst v5;
	v6 =	vsub.s32 $0x0, v63  }
0x51: {  	[tilespmem:$0x6040] =	vst v6;
	v5 =	vpop (erf)  }
0x52: {  	[tilespmem:$0x6050] =	vst v5  }
0x53: {  	[hbm4b:s5+s3] =	stream.linear.scatter [tilespmem:s12], [sflag:$0x3], $0x40, $0x38;
	[tilespmem:$0x6060] =	vst v63  }
0x54: {  	_ =	swait.ge [sflag:s9], $0x40  }
0x55: {  	[sflag:s9] =	ssyncset.done $0x0  }
0x56: {  	[sflag:s9] =	ssyncadd.s32 $0xFFFFFFC0  }
0x57: {  	[hbm4b:s6+s3] =	stream.linear.scatter [tilespmem:s13], [sflag:$0x3], $0x10, $0x38;
	[tilespmem:$0x6060] =	vst v63  }
0x58: {  	s15 =	sadd.s32 $0x1, s15;
	_ =	swait.ge [sflag:s9], $0x10  }
0x59: {  	p0 =	sne.s32 s15, s8;
	[sflag:s9] =	ssyncset.done $0x0  }
.Ltmp2:
0x5a: {  	[sflag:s9] =	ssyncadd.s32 $0xFFFFFFF0;
	(pc) =	sbr.rel @p0 .LBB2_1-.Ltmp2, $4  }
0x5b: {  	[hbm4b:s7+s3] =	stream.linear.scatter [tilespmem:s14], [sflag:$0x3], $0x10, $0x38;
	[tilespmem:$0x6060] =	vst v63  }
0x5c: {  	_ =	swait.ge [sflag:s9], $0x10  }
0x5d: {  	[sflag:s9] =	ssyncset.done $0x0  }
0x5e: {  	[sflag:s9] =	ssyncadd.s32 $0xFFFFFFF0  }
0x5f: {  	_ =	sfence.sel $0x180000  }
0x60: {  	[bflag:$0x0] =	sbarrier.arrive $0xFFFF  }
0x61: {  	p0 =	sne.s32 s2, $0x0;
	_ =	strace $0x90000047  }
0x62: {  	s0 =	sadd.s32 @!p0 $0x100000, s0;
	[bflag:$0x2] =	sbarrier.arrive $0xFFFF  }
0x63: {  	[sflag:s0] =	ssyncadd.tile.s32 @!p0 $0x1;
	_ =	shalt  }
.Lfunc_end2:
_tile_overlayer_lowered:
.L_overlay_start_2:
0x64: {  	(tag) =	ssettag $0x2  }
0x65: {  	s0 =	rddreg [dreg:$0x0];
	s2 =	stileid.u32  }
0x66: {  	s1 =	rddreg [dreg:$0x1];
	p0 =	sne.s32 s2, $0x0  }
0x67: {  	s3 =	rddreg [dreg:$0x2];
	[bflag:$0x3] =	sbarrier.arrive $0xFFFF;
	s2 =	simm.s32 @!p0 $0x1C03  }
0x68: {  	[timem:s3], [sflag:s2] =	dma.local @!p0 [hbm:s0], s1  }
0x69: {  	s0 =	simm.s32 @!p0 $0x3  }
0x6a: {  	_ =	swait.ge @!p0 [sflag:s0], s1  }
0x6b: {  	s1 =	ssub.s32 @!p0 $0x0, s1;
	[sflag:s0] =	ssyncset.done @!p0 $0x0  }
0x6c: {  	[sflag:s0] =	ssyncadd.s32 @!p0 s1  }
0x6d: {  	[bflag:$0x3] =	sbarrier.arrive $0xFFFF  }
0x6e: {  	_ =	shalt  }

// kernel: kernel.8.cloned.1.call-start
scs
__scs_entry_jumppad:
0x0: {  	(pc) =	sbr.rel $0x88, $3  }
0x1: {  	(tag) =	ssettag $0x0;
	lr =	simm.s32 $0x1  }
0x2: {  	[smem:$0x3F9E] =	sst lr;
	_ =	strace $0xD0000000  }
0x3: {  	_ = 	snop  }
0x4: {  	_ = 	snop  }
0x5: {  	_ = 	snop  }
0x6: {  	_ = 	snop  }
0x7: {  	_ = 	snop  }
__scs_overlays_trampoline_lowered:
0x8: {  	[smem:$0x3FAD] =	sst s0  }
0x9: {  	[smem:$0x3FAE] =	sst s1  }
0xa: {  	[smem:$0x3FAF] =	sst s2  }
0xb: {  	[smem:$0x3FB0] =	sst s3  }
0xc: {  	[smem:$0x3FB1] =	sst s4  }
0xd: {  	[smem:$0x3FB2] =	sst s5  }
0xe: {  	[smem:$0x3FB3] =	sst s6  }
0xf: {  	[smem:$0x3FB4] =	sst s7  }
0x10: {  	[smem:$0x3FB5] =	sst s8  }
0x11: {  	[smem:$0x3FB6] =	sst s9;
	s0 =	simm.s32 @!p0 $0x0  }
0x12: {  	s1 =	sld [smem:$0x3F9C];
	s0 =	simm.s32 @p0 $0x1  }
0x13: {  	[smem:$0x3FB7] =	sst s0;
	s0 =	simm.s32 @!p1 $0x0  }
0x14: {  	s2 =	sld [smem:$0x3F9B];
	s0 =	simm.s32 @p1 $0x1  }
0x15: {  	[smem:$0x3FB8] =	sst s0;
	s0 =	simm.s32 @!p2 $0x0  }
0x16: {  	s3 =	sld [smem:$0x3FDB];
	s0 =	simm.s32 @p2 $0x1  }
0x17: {  	s4 =	simm.s32 $0x1BF5;
	[smem:$0x3FBA] =	sst s0  }
0x18: {  	s0 =	sld [smem:$0x3F9D];
	_ =	swait.ge [sflag:s4], $0x0  }
0x19: {  	s7 =	sld [smem:$0x3F9E]  }
0x1a: {  	s8 =	sadd.s32 $0xFFFFE003, lr  }
0x1b: {  	s9 =	sadd.s32 $0xFFFFFEF7, lr;
	s5 =	simm.s32 $0xFFFFFFFF;
	p2 =	slt.u32 s8, $0xFFFFF086  }
0x1c: {  	p1 =	slt.u32 s9, $0xF7A;
	s5 =	simm.s32 @!p2 $0x0  }
0x1d: {  	s5 =	simm.s32 @p1 $0x1;
	p0 =	seq.s32 s7, s2  }
0x1e: {  	s7 =	smul.u32 @!p0 $0xF7A, s2;
	p2 =	seq.s32 @!p0 s5, $0x0  }
0x1f: {  	s9 =	smul.u32 $0xF7A, s1;
	s8 =	simm.s32 @!p0 $0x1BF5;
	p2 =	por !p2, p0  }
0x20: {  	[sflag:s8] =	ssyncset.s32 @!p0 $0xFFFFF086;
	s6 =	sadd.s32 @!p0 s3, s7;
	s7 =	simm.s32 @!p0 $0x108  }
0x21: {  	s3 =	sadd.s32 s3, s9;
	s6 =	sadd.s32 @!p0 $0x88, s6;
	s7 =	simm.s32 @p2 $0x1082  }
0x22: {  	[simem:s7], [sflag:s8] =	dma.local @!p0 [hbm:s6], $0xF7A  }
0x23: {  	s9 =	sor.u32 $0xD0000000, s2;
	s6 =	simm.s32 $0x108;
	_ =	swait.ge @!p0 [sflag:s8], $0x0  }
0x24: {  	s3 =	sadd.s32 $0x88, s3;
	s6 =	simm.s32 @!p1 $0x1082;
	[sflag:s4] =	ssyncset.s32 $0xFFFFF086  }
0x25: {  	[simem:s6], [sflag:s4] =	dma.local [hbm:s3], $0xF7A  }
0x26: {  	[smem:$0x3F9E] =	sst s1;
	(tag) =	ssettag s2;
	_ =	strace s9  }
0x27: {  	s1 =	sld [smem:$0x3FAE]  }
0x28: {  	s2 =	sld [smem:$0x3FAF]  }
0x29: {  	s4 =	sld [smem:$0x3FB1]  }
0x2a: {  	p0 =	seq.s32 s5, $0x0;
	s5 =	sld [smem:$0x3FB2]  }
0x2b: {  	s6 =	sld [smem:$0x3FB3]  }
0x2c: {  	s7 =	sld [smem:$0x3FB4]  }
0x2d: {  	s3 =	simm.s32 $0x108;
	s8 =	sld [smem:$0x3FB5]  }
0x2e: {  	s3 =	simm.s32 @!p0 $0x1082;
	s9 =	sld [smem:$0x3FB6]  }
0x2f: {  	lr =	sadd.s32 s0, s3;
	s0 =	sld [smem:$0x3FAD]  }
0x30: {  	s3 =	sld [smem:$0x3FB0]  }
0x31: {  	[smem:$0x3FB9] =	sst s10  }
0x32: {  	s10 =	sld [smem:$0x3FB7];
	_ =	sdelay $0x3  }
0x33: {  	p0 =	seq.s32 s10, $0x1;
	s10 =	sld [smem:$0x3FB9];
	_ =	sdelay $0x3  }
0x34: {  	[smem:$0x3FB9] =	sst s10  }
0x35: {  	s10 =	sld [smem:$0x3FB8];
	_ =	sdelay $0x3  }
0x36: {  	p1 =	seq.s32 s10, $0x1;
	s10 =	sld [smem:$0x3FB9];
	_ =	sdelay $0x3  }
0x37: {  	[smem:$0x3FB9] =	sst s10  }
0x38: {  	s10 =	sld [smem:$0x3FBA]  }
0x39: {  	_ = 	snop;
	(pc) =	sbr.ind lr, $3  }
0x3a: {  	_ = 	snop  }
0x3b: {  	_ = 	snop  }
0x3c: {  	p2 =	seq.s32 s10, $0x1;
	s10 =	sld [smem:$0x3FB9]  }
0x3d: {  	_ =	shalt  }
0x3e: {  	_ =	shalt  }
0x3f: {  	_ =	shalt  }
0x40: {  	_ =	shalt  }
0x41: {  	_ =	shalt  }
0x42: {  	_ =	shalt  }
0x43: {  	_ =	shalt  }
0x44: {  	_ =	shalt  }
0x45: {  	_ =	shalt  }
0x46: {  	_ =	shalt  }
0x47: {  	_ =	shalt  }
0x48: {  	_ =	shalt  }
0x49: {  	_ =	shalt  }
0x4a: {  	_ =	shalt  }
0x4b: {  	_ =	shalt  }
0x4c: {  	_ =	shalt  }
0x4d: {  	_ =	shalt  }
0x4e: {  	_ =	shalt  }
0x4f: {  	_ =	shalt  }
0x50: {  	_ =	shalt  }
0x51: {  	_ =	shalt  }
0x52: {  	_ =	shalt  }
0x53: {  	_ =	shalt  }
0x54: {  	_ =	shalt  }
0x55: {  	_ =	shalt  }
0x56: {  	_ =	shalt  }
0x57: {  	_ =	shalt  }
0x58: {  	_ =	shalt  }
0x59: {  	_ =	shalt  }
0x5a: {  	_ =	shalt  }
0x5b: {  	_ =	shalt  }
0x5c: {  	_ =	shalt  }
0x5d: {  	_ =	shalt  }
0x5e: {  	_ =	shalt  }
0x5f: {  	_ =	shalt  }
0x60: {  	_ =	shalt  }
0x61: {  	_ =	shalt  }
0x62: {  	_ =	shalt  }
0x63: {  	_ =	shalt  }
0x64: {  	_ =	shalt  }
0x65: {  	_ =	shalt  }
0x66: {  	_ =	shalt  }
0x67: {  	_ =	shalt  }
0x68: {  	_ =	shalt  }
0x69: {  	_ =	shalt  }
0x6a: {  	_ =	shalt  }
0x6b: {  	_ =	shalt  }
0x6c: {  	_ =	shalt  }
0x6d: {  	_ =	shalt  }
0x6e: {  	_ =	shalt  }
0x6f: {  	_ =	shalt  }
0x70: {  	_ =	shalt  }
0x71: {  	_ =	shalt  }
0x72: {  	_ =	shalt  }
0x73: {  	_ =	shalt  }
0x74: {  	_ =	shalt  }
0x75: {  	_ =	shalt  }
0x76: {  	_ =	shalt  }
0x77: {  	_ =	shalt  }
0x78: {  	_ =	shalt  }
0x79: {  	_ =	shalt  }
0x7a: {  	_ =	shalt  }
0x7b: {  	_ =	shalt  }
0x7c: {  	_ =	shalt  }
0x7d: {  	_ =	shalt  }
0x7e: {  	_ =	shalt  }
0x7f: {  	_ =	shalt  }
0x80: {  	_ =	shalt  }
0x81: {  	_ =	shalt  }
0x82: {  	_ =	shalt  }
0x83: {  	_ =	shalt  }
0x84: {  	_ =	shalt  }
0x85: {  	_ =	shalt  }
0x86: {  	_ =	shalt  }
0x87: {  	_ =	shalt  }
.Lfunc_end0:
.L_simem_size_0:
called_computation.1_lowered:
.L_overlay_start_0:
0x88: {  	s2 =	sld [smem:$0x3FD9]  }
0x89: {  	s3 =	sld [smem:$0x3FFE];
	_ =	sdelay $0x1  }
0x8a: {  	s1 =	srdreg.scid  }
0x8b: {  	s0 =	sand.u32 $0x1, s1  }
0x8c: {  	s16 =	sshll.u32 s0, $0xA;
	s2 =	sadd.s32 s3, s2  }
0x8d: {  	s2 =	sadd.s32 s2, s16  }
0x8e: {  	[smem:$0x3FC5] =	sst s2  }
0x8f: {  	_ = 	snop  }
0x90: {  	(tm) =	ssettm $0x1  }
0x91: {  	s17 =	sld [smem:$0x3FFB];
	_ =	sdelay $0x3  }
0x92: {  	_ =	strace s17  }
0x93: {  	s2 =	sld [smem:$0x3FFC];
	_ =	sdelay $0x3  }
0x94: {  	_ =	strace s2  }
0x95: {  	s2 =	sld [smem:$0x3FFD];
	_ =	sdelay $0x3  }
0x96: {  	_ =	strace s2  }
0x97: {  	_ =	strace $0x8FFFFFFF  }
0x98: {  	s18 =	sld [smem:$0x3FDB];
	_ =	sdelay $0x1  }
0x99: {  	s19 =	simm.s32 $_scs_section_size  }
0x9a: {  	s4 =	simm.s32 $_size__tile_overlayer_lowered;
	s5 =	simm.s32 $_tile_overlayer_lowered  }
0x9b: {  	s22 =	simm.s32 $0x1BFF;
	s21 =	sshll.u32 s5, $0x1;
	s2 =	sadd.s32 s19, s18  }
0x9c: {  	s6 =	simm.s32 $0x0;
	s20 =	sshll.u32 s4, $0x1;
	s4 =	sadd.s32 s21, s2  }
0x9d: {  	[timem:s6], [sflag:s22] =	dma.local [hbm:s4], s20  }
0x9e: {  	_ =	swait.ge [sflag:s22], s20  }
0x9f: {  	s3 =	ssub.s32 $0x0, s20;
	[sflag:s22] =	ssyncset.done $0x0  }
0xa0: {  	[sflag:s22] =	ssyncadd.s32 s3;
	_ =	sdelay $0x1  }
0xa1: {  	s23 =	simm.s32 $0x1B8B  }
0xa2: {  	_ =	swait.ge [sflag:s23], $0x1  }
0xa3: {  	[sflag:s23] =	ssyncset.done $0x0  }
0xa4: {  	s25 =	simm.s32 $0x1B8E;
	s24 =	sld [smem:$0x3FFE];
	[sflag:s23] =	ssyncadd.s32 $0xFFFFFFFF  }
0xa5: {  	s26 =	simm.s32 $execute0_lowered;
	[smem:$0x3FD2] =	sst s25  }
0xa6: {  	s4 =	sshll.u32 s26, $0x1;
	_ =	strace $0x80000049;
	[dreg:$0x1] =	wrdreg $0xFFFFFFFF  }
0xa7: {  	s28 =	simm.s32 $_size_execute0_lowered;
	s2 =	sadd.s32 s2, s4;
	[dreg:$0x0] =	wrdreg $0x0  }
0xa8: {  	s4 =	sshll.u32 s28, $0x1;
	[dreg:$0x2] =	wrdreg s2  }
0xa9: {  	[dreg:$0x3] =	wrdreg s4  }
0xaa: {  	[dreg:$0x4] =	wrdreg $0xC0  }
0xab: {  	_ =	task [dreg:s6], $0x5FFFF  }
0xac: {  	[dreg:$0x1] =	wrdreg $0xFFFFFFFF  }
0xad: {  	[dreg:$0x0] =	wrdreg $0x60  }
0xae: {  	[dreg:$0x2] =	wrdreg s24  }
0xaf: {  	[dreg:$0x3] =	wrdreg $0x145200  }
0xb0: {  	[dreg:$0x4] =	wrdreg $0x9  }
0xb1: {  	_ =	task.clear_ibuf [dreg:s6], $0x5FFFF;
	_ =	strace $0x90000049  }
0xb2: {  	s29 =	simm.s32 $0x9;
	_ =	strace $0x8000004B  }
0xb3: {  	_ =	swait.ge [sflag:s29], $0x1  }
0xb4: {  	[sflag:s29] =	ssyncadd.s32 $0xFFFFFFFF  }
0xb5: {  	_ =	strace $0x9000004B  }
0xb6: {  	_ =	sfence  }
0xb7: {  	s30 =	sld [smem:$0x0];
	_ =	sdelay $0x2  }
0xb8: {  	s31 =	sshll.u32 s1, $0xD;
	s1 =	sshrl.u32 s1, $0x2  }
0xb9: {  	s3 =	sand.u32 $0x4000, s31;
	s1 =	sadd.s32 s1, s30  }
0xba: {  	s0 =	sor.u32 s3, s0;
	s1 =	sshll.u32 s1, $0x11  }
0xbb: {  	s0 =	sor.u32 s1, s0  }
0xbc: {  	s0 =	sadd.s32 $0x8F2B, s0  }
0xbd: {  	[sflag:s0] =	ssyncadd.remote.s32 $0x1  }
0xbe: {  	_ =	sfence.sel $0xFFFF  }
0xbf: {  	[dreg:$0x0] =	wrdreg $0xFFFFFFFF;
	(pc) =	sbr.abs _section_cstart, $3  }
0xc0: {  	[dreg:$0x1] =	wrdreg $0xFFFFFFFF  }
0xc1: {  	_ =	task.clear_ibuf [dreg:s6], $0x2FFFF;
	_ =	strace $0x9FFFFFFF  }
0xc2: {  	(tm) =	ssettm $0x7FFFFFFF  }
0xc3: {  	_ =	shalt  }
tec
execute0_lowered:
.L_overlay_start_1:
0x0: {  	(tag) =	ssettag $0x1  }
0x1: {  	s0 =	rddreg [dreg:$0x0]  }
0x2: {  	s1 =	rddreg [dreg:$0x1];
	s2 =	simm.s32 $0x0  }
0x3: {  	s4 =	srdreg.scid;
	s15 =	stileid.u32;
	s31 =	simm.s32 $0x4080  }
0x4: {  	[smem:$0x7FF] =	sst s2;
	s3 =	sadd.s32 $0x9600, s0;
	s6 =	sadd.s32 $0x1200, s0  }
0x5: {  	s4 =	sand.u32 $0x1, s4;
	s7 =	sadd.s32 $0x3DA200, s0;
	s8 =	sadd.s32 $0x9200, s0  }
0x6: {  	s10 =	sadd.s32 $0x9400, s0;
	s5 =	sadd.s32 $0x3E2200, s0;
	s25 =	sshll.u32 s15, $0xB  }
0x7: {  	s28 =	sshll.u32 s15, $0x2;
	s30 =	sshllo.u32 s15, $0x1;
	s13 =	smul.u32 $0x27100, s15  }
0x8: {  	s17 =	smul.u32 $0x1E8480, s15;
	s24 =	sshllo.u32 s15, $0x2;
	s15 =	simm.s32 $0x14510  }
0x9: {  	_ =	strace $0x8000004A;
	s9 =	ssub.s32 $0x2, s4;
	s4 =	smul.u32 $0x3D090, s4  }
0xa: {  	s26 =	sadd.s32 s6, s25;
	s29 =	sadd.s32 s8, s28;
	s12 =	sadd.s32 s10, s28  }
0xb: {  	s16 =	sshll.u32 s30, $0xA;
	s14 =	sor.u32 $0x1, s28;
	[dreg:$0x3] =	wrdreg s26  }
0xc: {  	s18 =	sshll.u32 s30, $0x1;
	[dreg:$0x5] =	wrdreg s29;
	s19 =	smul.u32 $0x9C40, s14  }
0xd: {  	s11 =	sshrl.u32 s9, $0x1;
	[dreg:$0x6] =	wrdreg s12;
	s20 =	smul.u32 $0x7A120, s14  }
0xe: {  	s6 =	sadd.s32 s6, s16;
	s8 =	sadd.s32 s8, s18;
	s26 =	smul.u32 $0x9C40, s24  }
0xf: {  	s21 =	sshrl.u32 s13, $0x2;
	s29 =	smul.u32 $0x7A120, s24;
	s12 =	simm.s32 $0x12500  }
0x10: {  	s13 =	simm.s32 $0x14500;
	s14 =	simm.s32 $0x5;
	s0 =	ssub.s32 s9, s11  }
0x11: {  	s9 =	sadd.s32 s7, s25;
	[dreg:$0x7] =	wrdreg s6;
	s7 =	sadd.s32 s7, s16  }
0x12: {  	[dreg:$0x9] =	wrdreg s8;
	s11 =	sor.u32 $0x2, s28;
	s6 =	sadd.s32 s17, s4  }
0x13: {  	s8 =	simm.s32 $0x80;
	[dreg:$0x4] =	wrdreg s9;
	s22 =	smul.u32 $0x9C40, s11  }
0x14: {  	[dreg:$0x8] =	wrdreg s7;
	s7 =	sadd.s32 s10, s18;
	s23 =	smul.u32 $0x7A120, s11  }
0x15: {  	[dreg:$0xc] =	wrdreg s6;
	s25 =	sshrl.u32 s19, $0x2;
	s17 =	sadd.s32 s20, s4  }
0x16: {  	s30 =	sshrl.u32 s26, $0x2;
	s0 =	smax.u32 s0, $0x1;
	s11 =	simm.s32 $0x10500  }
0x17: {  	s6 =	simm.s32 $0x8100;
	s9 =	simm.s32 $0x4;
	s10 =	simm.s32 $0x0  }
.Ltmp0:
0x18: {  	v1 =	vimm.s32 $0x0;
	v2 =	vimm.s32 $0xF;
	[dreg:$0xa] =	wrdreg s7;
	s7 =	sadd.s32 s21, s1;
	(pc) =	sbr.rel .LBB2_1-.Ltmp0, $4  }
0x19: {  	v3 =	vimm.s32 $0x7FFFF;
	v4 =	vlaneseq.u32;
	v5 =	vimm.s32 $0x9C400;
	s16 =	sadd.s32 s25, s1;
	s20 =	sadd.s32 s30, s1;
	[dreg:$0xd] =	wrdreg s0  }
0x1a: {  	v6 =	vimm.f32 $0.0e+00;
	v7 =	vor.u32 $0x10, v4;
	v8 =	vor.u32 $0x20, v4;
	s21 =	sadd.s32 s29, s4;
	s0 =	simm.s32 $0x3;
	[dreg:$0xb] =	wrdreg s7  }
0x1b: {  	v9 =	vor.u32 $0x30, v4;
	v10 =	vor.u32 $0x40, v4;
	v11 =	vor.u32 $0x50, v4;
	s28 =	sshrl.u32 s22, $0x2;
	s19 =	sadd.s32 s23, s4;
	s22 =	simm.s32 $0x1  }
0x1c: {  	v12 =	vor.u32 $0x60, v4;
	v13 =	vor.u32 $0x70, v4;
	v0 =	vmov s4;
	s23 =	simm.s32 $0x2;
	s7 =	simm.s32 $0xC300;
	s18 =	sadd.s32 s28, s1  }
.LBB2_21:
0x1d: {  	s10 =	rddreg [dreg:$0xe]  }
0x1e: {  	s4 =	rddreg [dreg:$0xd];
	s10 =	sadd.s32 $0x1, s10  }
0x1f: {  	p0 =	sne.s32 s10, s4  }
.Ltmp1:
0x20: {  	_ = 	snop;
	(pc) =	sbr.rel @!p0 .LBB2_22-.Ltmp1, $4  }
0x21: {  	_ = 	snop  }
0x22: {  	s11 =	simm.s32 $0x10500  }
0x23: {  	s12 =	simm.s32 $0x12500;
	s13 =	simm.s32 $0x14500;
	s14 =	simm.s32 $0x5  }
0x24: {  	s15 =	simm.s32 $0x14510;
	s22 =	simm.s32 $0x1;
	s23 =	simm.s32 $0x2  }
.LBB2_1:
0x25: {  	[dreg:$0xe] =	wrdreg s10  }
0x26: {  	s4 =	rddreg [dreg:$0x3]  }
0x27: {  	[tilespmem:s11], [sflag:$0x1] =	stream.linear.gather [hbm4b:s4+s2], $0x2000, $0x38;
	[tilespmem:$0x1E168] =	vst v63  }
0x28: {  	s28 =	rddreg [dreg:$0x4]  }
0x29: {  	[tilespmem:s12], [sflag:$0x2] =	stream.linear.gather [hbm4b:s28+s2], $0x2000, $0x38;
	[tilespmem:$0x1E168] =	vst v63  }
0x2a: {  	s29 =	rddreg [dreg:$0x5]  }
0x2b: {  	[tilespmem:s13], [sflag:$0x5] =	stream.linear.gather [hbm4b:s29+s2], $0x10, $0x38;
	[tilespmem:$0x1E168] =	vst v63  }
0x2c: {  	_ =	swait.ge [sflag:s14], $0x10  }
0x2d: {  	[sflag:s14] =	ssyncset.done $0x0  }
0x2e: {  	s30 =	rddreg [dreg:$0x6];
	[sflag:s14] =	ssyncadd.s32 $0xFFFFFFF0  }
0x2f: {  	[tilespmem:s15], [sflag:$0x5] =	stream.linear.gather [hbm4b:s30+s2], $0x10, $0x38;
	[tilespmem:$0x1E168] =	vst v63  }
0x30: {  	_ =	swait.ge [sflag:s14], $0x10  }
0x31: {  	[sflag:s14] =	ssyncset.done $0x0  }
0x32: {  	[sflag:s14] =	ssyncadd.s32 $0xFFFFFFF0  }
0x33: {  	v14 =	vld [tilespmem:$0x14500]  }
0x34: {  	v15 =	vld [tilespmem:$0x14510];
	_ =	swait.ge [sflag:s22], $0x2000  }
0x35: {  	[sflag:s22] =	ssyncset.done $0x0  }
0x36: {  	[sflag:s22] =	ssyncadd.s32 $0xFFFFE000  }
0x37: {  	_ =	swait.ge [sflag:s23], $0x2000  }
0x38: {  	[sflag:s23] =	ssyncset.done $0x0  }
0x39: {  	s10 =	simm.s32 $0x0;
	[sflag:s23] =	ssyncadd.s32 $0xFFFFE000  }
0x3a: {  	s4 =	simm.s32 $0x40;
	v16 =	vshll.u32 v14, $0x13;
	v14 =	vimm.s32 $0x0;
	v17 =	vld [tilespmem:s10+$0x10500]  }
.LBB2_2:
0x3b: {  	p0 =	sne.s32 s4, $0x7FC0;
	_ =	sdelay $0x3  }
0x3c: {  	v17 =	vsub.s32 v17, v0  }
0x3d: {  	vm0 =	vlt.u32 v17, $0x3D090;
	v17 =	vor.u32 v16, v17  }
0x3e: {  	v18 =	vsel vm0, $0x1, v1  }
0x3f: {  	(xrf0) =	vadd.scan.msk.s32 $0xffff, v18;
	_ =	sdelay $0x5  }
0x40: {  	v18, _, _ =	vpop (xrf0)  }
0x41: {  	v19 =	vld [tilespmem:s10+$0x12500];
	v20 =	vadd.s32 v18, v14;
	v18 =	vperm.xlane v18, v2  }
0x42: {  	v20 =	vadd.s32 $0xFFFFFFFF, v20  }
0x43: {  	v14 =	vadd.s32 v14, v18;
	_ =	sdelay $0x1  }
.Ltmp2:
0x44: {  	(pc) =	sbr.rel @p0 .LBB2_2-.Ltmp2, $4  }
0x45: {  	v18 =	vmul.f32 v19, v15  }
0x46: {  	[tilespmem:v20+s2+$0x0] =	vst.idx.msk vm0, v17  }
0x47: {  	s10 =	sshra.s32 s4, $0x2;
	[tilespmem:v20+s31+$0x0] =	vst.idx.msk vm0, v18  }
0x48: {  	s4 =	sadd.s32 $0x40, s4;
	v17 =	vld [tilespmem:s10+$0x10500]  }
0x49: {  	_ =	sdelay $0x3  }
0x4a: {  	v17 =	vsub.s32 v17, v0  }
0x4b: {  	vm0 =	vlt.u32 v17, $0x3D090  }
0x4c: {  	v18 =	vsel vm0, $0x1, v1  }
0x4d: {  	(xrf0) =	vadd.scan.msk.s32 $0xffff, v18;
	_ =	sdelay $0x5  }
0x4e: {  	v18, _, _ =	vpop (xrf0)  }
0x4f: {  	v19 =	vld [tilespmem:s10+$0x12500];
	v20 =	vadd.s32 v18, v14  }
0x50: {  	v20 =	vadd.s32 $0xFFFFFFFF, v20;
	_ =	sdelay $0x3  }
0x51: {  	v16 =	vor.u32 v16, v17;
	v15 =	vmul.f32 v19, v15  }
0x52: {  	[tilespmem:v20+s2+$0x0] =	vst.idx.msk vm0, v16  }
0x53: {  	s4 =	simm.s32 $0x0;
	s26 =	rddreg [dreg:$0x7];
	[tilespmem:v20+s31+$0x0] =	vst.idx.msk vm0, v15  }
0x54: {  	[tilespmem:s11], [sflag:$0x1] =	stream.linear.gather [hbm4b:s26+s4], $0x2000, $0x38;
	[tilespmem:$0x1E168] =	vst v63  }
0x55: {  	s28 =	rddreg [dreg:$0x8]  }
0x56: {  	[tilespmem:s12], [sflag:$0x2] =	stream.linear.gather [hbm4b:s28+s4], $0x2000, $0x38;
	[tilespmem:$0x1E168] =	vst v63  }
0x57: {  	s29 =	rddreg [dreg:$0x9]  }
0x58: {  	[tilespmem:s13], [sflag:$0x5] =	stream.linear.gather [hbm4b:s29+s4], $0x10, $0x38;
	[tilespmem:$0x1E168] =	vst v63  }
0x59: {  	_ =	swait.ge [sflag:s14], $0x10  }
0x5a: {  	[sflag:s14] =	ssyncset.done $0x0  }
0x5b: {  	s30 =	rddreg [dreg:$0xa];
	[sflag:s14] =	ssyncadd.s32 $0xFFFFFFF0  }
0x5c: {  	[tilespmem:s15], [sflag:$0x5] =	stream.linear.gather [hbm4b:s30+s4], $0x10, $0x38;
	[tilespmem:$0x1E168] =	vst v63  }
0x5d: {  	_ =	swait.ge [sflag:s14], $0x10  }
0x5e: {  	[sflag:s14] =	ssyncset.done $0x0  }
0x5f: {  	[sflag:s14] =	ssyncadd.s32 $0xFFFFFFF0  }
0x60: {  	v17 =	vld [tilespmem:$0x14500]  }
0x61: {  	v15 =	vld [tilespmem:$0x14510];
	_ =	swait.ge [sflag:s22], $0x2000  }
0x62: {  	[sflag:s22] =	ssyncset.done $0x0  }
0x63: {  	[sflag:s22] =	ssyncadd.s32 $0xFFFFE000  }
0x64: {  	_ =	swait.ge [sflag:s23], $0x2000  }
0x65: {  	v16 =	vperm.xlane v18, v2;
	[sflag:s23] =	ssyncset.done $0x0  }
0x66: {  	s10 =	simm.s32 $0x0;
	[sflag:s23] =	ssyncadd.s32 $0xFFFFE000  }
0x67: {  	v16 =	vadd.s32 v14, v16;
	s4 =	simm.s32 $0x40;
	v14 =	vshll.u32 v17, $0x13;
	v17 =	vld [tilespmem:s10+$0x10500]  }
.LBB2_4:
0x68: {  	p0 =	sne.s32 s4, $0x7FC0;
	_ =	sdelay $0x3  }
0x69: {  	v17 =	vsub.s32 v17, v0  }
0x6a: {  	vm0 =	vlt.u32 v17, $0x3D090;
	v17 =	vor.u32 v14, v17  }
0x6b: {  	v18 =	vsel vm0, $0x1, v1  }
0x6c: {  	(xrf0) =	vadd.scan.msk.s32 $0xffff, v18;
	_ =	sdelay $0x5  }
0x6d: {  	v18, _, _ =	vpop (xrf0)  }
0x6e: {  	v19 =	vld [tilespmem:s10+$0x12500];
	v20 =	vadd.s32 v18, v16;
	v18 =	vperm.xlane v18, v2  }
0x6f: {  	v20 =	vadd.s32 $0xFFFFFFFF, v20  }
0x70: {  	v16 =	vadd.s32 v16, v18;
	_ =	sdelay $0x1  }
.Ltmp3:
0x71: {  	(pc) =	sbr.rel @p0 .LBB2_4-.Ltmp3, $4  }
0x72: {  	v18 =	vmul.f32 v19, v15  }
0x73: {  	[tilespmem:v20+s2+$0x0] =	vst.idx.msk vm0, v17  }
0x74: {  	s10 =	sshra.s32 s4, $0x2;
	[tilespmem:v20+s31+$0x0] =	vst.idx.msk vm0, v18  }
0x75: {  	s4 =	sadd.s32 $0x40, s4;
	v17 =	vld [tilespmem:s10+$0x10500]  }
0x76: {  	_ =	sdelay $0x3  }
0x77: {  	v17 =	vsub.s32 v17, v0  }
0x78: {  	vm0 =	vlt.u32 v17, $0x3D090  }
0x79: {  	v18 =	vsel vm0, $0x1, v1  }
0x7a: {  	(xrf0) =	vadd.scan.msk.s32 $0xffff, v18;
	_ =	sdelay $0x5  }
0x7b: {  	v18, _, _ =	vpop (xrf0)  }
0x7c: {  	v19 =	vperm.xlane v18, v2;
	_ =	sdelay $0x1  }
0x7d: {  	v19 =	vadd.s32 v16, v19  }
0x7e: {  	(v2sf) =	vpush v19, $0x0;
	_ =	sdelay $0xe  }
0x7f: {  	v62 =	vld [tilespmem:s10+$0x12500];
	v63 =	vadd.s32 v18, v16;
	s4 =	spop (v2sf)  }
0x80: {  	v16 =	vadd.s32 $0xFFFFFFFF, v63;
	s29 =	sadd.s32 $0xF, s4  }
0x81: {  	s11 =	sand.u32 $0xF, s29  }
0x82: {  	s30 =	sshra.s32 s29, $0x1F;
	p1 =	slt.s32 s29, $0x1;
	p0 =	sne.s32 s11, $0x0  }
.Ltmp4:
0x83: {  	s11 =	sshrl.u32 s30, $0x1C;
	p0 =	por !p1, !p0;
	(pc) =	sbr.rel .LBB2_6-.Ltmp4, $4  }
0x84: {  	v14 =	vor.u32 v14, v17;
	v15 =	vmul.f32 v62, v15;
	s10 =	sadd.s32 s11, s29;
	s11 =	simm.s32 $0x1;
	p0 =	por !p0, !p0  }
0x85: {  	[tilespmem:v16+s2+$0x0] =	vst.idx.msk vm0, v14;
	s10 =	sshra.s32 s10, $0x4;
	s11 =	simm.s32 @!p0 $0x0  }
0x86: {  	[tilespmem:v16+s31+$0x0] =	vst.idx.msk vm0, v15;
	s11 =	ssub.s32 s10, s11  }
0x87: {  	s12 =	simm.s32 $0x0;
	[tilespmem:s4+$0x0] =	vst v3;
	p0 =	slt.s32 s11, $0x1  }
.LBB2_19:
0x88: {  	[sflag:s9] =	ssyncadd.s32 $0xFFFFFF80  }
.LBB2_20:
0x89: {  	[bflag:$0x0] =	sbarrier.arrive $0xFFFF;
	s4 =	sadd.s32 s5, s23  }
0x8a: {  	s25 =	sadd.s32 s5, s25;
	s28 =	sadd.s32 s5, s28;
	s30 =	sadd.s32 s5, s30  }
0x8b: {  	[hbm:s4], [sflag:s13] =	dma.local [spmem:s24], $0x4E2  }
0x8c: {  	[hbm:s25], [sflag:s13] =	dma.local [spmem:s22], $0x4E2  }
0x8d: {  	[hbm:s28], [sflag:s13] =	dma.local [spmem:s29], $0x4E2  }
0x8e: {  	[hbm:s30], [sflag:s13] =	dma.local [spmem:s26], $0x4E2  }
0x8f: {  	_ =	swait.ge [sflag:s0], $0x4E2  }
0x90: {  	[sflag:s0] =	ssyncset.done $0x0  }
0x91: {  	[sflag:s0] =	ssyncadd.s32 $0xFFFFFB1E  }
0x92: {  	_ =	swait.ge [sflag:s0], $0x4E2  }
0x93: {  	[sflag:s0] =	ssyncset.done $0x0  }
0x94: {  	s12 =	sadd.s32 $0x1, s12;
	[sflag:s0] =	ssyncadd.s32 $0xFFFFFB1E  }
0x95: {  	p1 =	sne.s32 s12, $0x19;
	_ =	swait.ge [sflag:s0], $0x4E2  }
.Ltmp5:
0x96: {  	[sflag:s0] =	ssyncset.done $0x0;
	(pc) =	sbr.rel @!p1 .LBB2_21-.Ltmp5, $4  }
0x97: {  	[sflag:s0] =	ssyncadd.s32 $0xFFFFFB1E  }
0x98: {  	_ =	swait.ge [sflag:s0], $0x4E2  }
0x99: {  	[sflag:s0] =	ssyncset.done $0x0  }
0x9a: {  	[sflag:s0] =	ssyncadd.s32 $0xFFFFFB1E  }
.LBB2_6:
0x9b: {  	s4 =	smul.u32 $0x2710, s12  }
0x9c: {  	s10 =	rddreg [dreg:$0xc]  }
0x9d: {  	s25 =	stileid.u32;
	s10 =	sadd.s32 s10, s4  }
0x9e: {  	s26 =	rddreg [dreg:$0xb];
	s23 =	sshrl.u32 s10, $0x3;
	s10 =	sshll.u32 s25, $0x6  }
0x9f: {  	s24 =	sshrl.u32 s26, $0x3;
	s14 =	sadd.s32 s3, s23;
	s13 =	sor.u32 $0x1C03, s10  }
0xa0: {  	[spmem:s24], [sflag:s13] =	dma.local [hbm:s14], $0x4E2  }
0xa1: {  	s14 =	sadd.s32 s17, s4  }
0xa2: {  	s22 =	sshrl.u32 s16, $0x3;
	s15 =	sadd.s32 s19, s4;
	s25 =	sshrl.u32 s14, $0x3  }
0xa3: {  	s26 =	sadd.s32 s21, s4;
	s28 =	sshrl.u32 s15, $0x3;
	s10 =	sadd.s32 s3, s25  }
0xa4: {  	[spmem:s22], [sflag:s13] =	dma.local [hbm:s10], $0x4E2  }
0xa5: {  	s29 =	sshrl.u32 s18, $0x3;
	s30 =	sshrl.u32 s26, $0x3;
	s10 =	sadd.s32 s3, s28  }
0xa6: {  	[spmem:s29], [sflag:s13] =	dma.local [hbm:s10], $0x4E2  }
0xa7: {  	s26 =	sshrl.u32 s20, $0x3;
	s10 =	sadd.s32 s3, s30  }
0xa8: {  	[spmem:s26], [sflag:s13] =	dma.local [hbm:s10], $0x4E2  }
0xa9: {  	_ =	swait.ge [sflag:s0], $0x4E2  }
0xaa: {  	[sflag:s0] =	ssyncset.done $0x0  }
0xab: {  	[sflag:s0] =	ssyncadd.s32 $0xFFFFFB1E  }
0xac: {  	_ =	swait.ge [sflag:s0], $0x4E2  }
0xad: {  	[sflag:s0] =	ssyncset.done $0x0  }
0xae: {  	[sflag:s0] =	ssyncadd.s32 $0xFFFFFB1E  }
0xaf: {  	_ =	swait.ge [sflag:s0], $0x4E2  }
0xb0: {  	[sflag:s0] =	ssyncset.done $0x0  }
0xb1: {  	[sflag:s0] =	ssyncadd.s32 $0xFFFFFB1E  }
.Ltmp6:
0xb2: {  	_ =	swait.ge [sflag:s0], $0x4E2;
	(pc) =	sbr.rel @p0 .LBB2_7-.Ltmp6, $3  }
0xb3: {  	[sflag:s0] =	ssyncset.done $0x0  }
0xb4: {  	[sflag:s0] =	ssyncadd.s32 $0xFFFFFB1E  }
0xb5: {  	[bflag:$0x0] =	sbarrier.arrive $0xFFFF;
	_ =	sdelay $0x1  }
0xb6: {  	p2 =	sne.s32 s11, $0x1  }
.Ltmp7:
0xb7: {  	_ = 	snop;
	(pc) =	sbr.rel @!p2 .LBB2_9-.Ltmp7, $3  }
0xb8: {  	_ =	sdelay $0x1  }
0xb9: {  	s10 =	sadd.s32 $0x2710, s4;
	s14 =	simm.s32 $0x0  }
0xba: {  	v15 =	vmov s4;
	v14 =	vimm.s32 $0x0;
	s4 =	sadd.s32 $0xFFFFFFFF, s11;
	p1 =	por $0x0, $0x0;
	v16 =	vmov s10;
	s10 =	simm.s32 $0x4080;
	v17 =	vld [tilespmem:s14+$0x0]  }
0xbb: {  	_ =	sdelay $0x3  }
0xbc: {  	v18 =	vand.u32 $0x7FFFF, v17  }
0xbd: {  	vm0 =	vge.u32 v18, v15;
	vm1 =	vlt.u32 v18, v16  }
0xbe: {  	vm0 =	vmand vm0, vm1  }
0xbf: {  	v19 =	vsel vm0, $0x1, v1  }
0xc0: {  	(xrf0) =	vadd.scan.msk.s32 $0xffff, v19;
	_ =	sdelay $0x5  }
0xc1: {  	v19, _, _ =	vpop (xrf0)  }
0xc2: {  	v20 =	vadd.s32 v19, v14  }
0xc3: {  	v20 =	vadd.s32 $0xFFFFFFFF, v20  }
0xc4: {  	v21 =	vld [tilespmem:s10+$0x0];
	v17 =	vshrl.u32 v17, $0x13  }
0xc5: {  	v17 =	vmul.u32 $0x2710, v17  }
0xc6: {  	p2 =	sne.s32 s4, $0x1;
	v18 =	vsub.s32 v18, v15  }
.Ltmp8:
0xc7: {  	v17 =	vadd.s32 v17, v18;
	(pc) =	sbr.rel @!p2 .LBB2_11-.Ltmp8, $4  }
0xc8: {  	[tilespmem:v20+s6+$0x0] =	vst.idx.msk vm0, v17  }
0xc9: {  	s14 =	simm.s32 $0x10;
	v18 =	vperm.xlane v19, v2;
	[tilespmem:v20+s7+$0x0] =	vst.idx.msk vm0, v21  }
0xca: {  	v17 =	vld [tilespmem:s14+$0x0]  }
0xcb: {  	s15 =	sadd.s32 $0xFFFFFFFF, s4;
	p1 =	por $0x1, $0x1;
	s4 =	simm.s32 $0x4080;
	v14 =	vadd.s32 v14, v18  }
.LBB2_12:
0xcc: {  	p2 =	sne.s32 s15, $0x1;
	_ =	sdelay $0x2  }
0xcd: {  	v18 =	vand.u32 $0x7FFFF, v17  }
0xce: {  	vm0 =	vge.u32 v18, v15;
	vm1 =	vlt.u32 v18, v16  }
0xcf: {  	vm0 =	vmand vm0, vm1  }
0xd0: {  	v19 =	vsel vm0, $0x1, v1  }
0xd1: {  	(xrf0) =	vadd.scan.msk.s32 $0xffff, v19;
	_ =	sdelay $0x5  }
0xd2: {  	v19, _, _ =	vpop (xrf0)  }
0xd3: {  	v20 =	vadd.s32 v19, v14;
	v19 =	vperm.xlane v19, v2  }
0xd4: {  	s4 =	sadd.s32 $0x10, s4;
	v20 =	vadd.s32 $0xFFFFFFFF, v20  }
0xd5: {  	v17 =	vshrl.u32 v17, $0x13;
	v21 =	vld [tilespmem:s4+$0x0];
	v14 =	vadd.s32 v14, v19  }
0xd6: {  	v17 =	vmul.u32 $0x2710, v17  }
0xd7: {  	v18 =	vsub.s32 v18, v15  }
.Ltmp9:
0xd8: {  	v17 =	vadd.s32 v17, v18;
	(pc) =	sbr.rel @p2 .LBB2_12-.Ltmp9, $4  }
0xd9: {  	[tilespmem:v20+s6+$0x0] =	vst.idx.msk vm0, v17  }
0xda: {  	s14 =	sadd.s32 $0x10, s14;
	[tilespmem:v20+s7+$0x0] =	vst.idx.msk vm0, v21  }
0xdb: {  	v17 =	vld [tilespmem:s14+$0x0]  }
0xdc: {  	s15 =	sadd.s32 $0xFFFFFFFF, s15  }
.LBB2_13:
0xdd: {  	_ =	sdelay $0x2  }
0xde: {  	v18 =	vand.u32 $0x7FFFF, v17  }
0xdf: {  	vm0 =	vge.u32 v18, v15;
	vm1 =	vlt.u32 v18, v16  }
0xe0: {  	vm0 =	vmand vm0, vm1  }
0xe1: {  	v62 =	vsel vm0, $0x1, v1  }
0xe2: {  	(xrf0) =	vadd.scan.msk.s32 $0xffff, v62;
	_ =	sdelay $0x5  }
0xe3: {  	v16, _, _ =	vpop (xrf0)  }
0xe4: {  	s4 =	sadd.s32 @p1 $0x10, s4;
	v19 =	vadd.s32 v16, v14  }
0xe5: {  	s10 =	smov.u32 @p1 s4;
	v19 =	vadd.s32 $0xFFFFFFFF, v19  }
0xe6: {  	v20 =	vld [tilespmem:s10+$0x0];
	v63 =	vshrl.u32 v17, $0x13  }
.Ltmp10:
0xe7: {  	v17 =	vmul.u32 $0x2710, v63;
	(pc) =	sbr.rel .LBB2_14-.Ltmp10, $4  }
0xe8: {  	v15 =	vsub.s32 v18, v15  }
0xe9: {  	v15 =	vadd.s32 v17, v15;
	v16 =	vperm.xlane v16, v2  }
0xea: {  	[tilespmem:v19+s6+$0x0] =	vst.idx.msk vm0, v15  }
0xeb: {  	v14 =	vadd.s32 v14, v16;
	[tilespmem:v19+s7+$0x0] =	vst.idx.msk vm0, v20  }
.LBB2_7:
0xec: {  	v14 =	vimm.s32 $0x0  }
.LBB2_14:
0xed: {  	(v2sf) =	vpush v14, $0x0;
	_ =	sdelay $0x7  }
0xee: {  	v15 =	vadd.s32 v4, v14;
	_ =	sdelay $0x1  }
0xef: {  	v16 =	vadd.s32 v7, v14;
	_ =	sdelay $0x1  }
0xf0: {  	s4 =	simm.s32 $0x8100;
	v17 =	vadd.s32 v8, v14  }
0xf1: {  	s10 =	simm.s32 $0xC300;
	[tilespmem:v15+s4+$0x0] =	vst.idx.msk $0xffff, v5  }
0xf2: {  	[tilespmem:v15+s10+$0x0] =	vst.idx.msk $0xffff, v6;
	v15 =	vadd.s32 v9, v14  }
0xf3: {  	[tilespmem:v16+s4+$0x0] =	vst.idx.msk $0xffff, v5;
	s14 =	spop (v2sf)  }
0xf4: {  	v62 =	vadd.s32 v10, v14;
	[tilespmem:v16+s10+$0x0] =	vst.idx.msk $0xffff, v6;
	s14 =	sadd.s32 $0x7F, s14  }
0xf5: {  	[tilespmem:v17+s4+$0x0] =	vst.idx.msk $0xffff, v5;
	s15 =	sand.u32 $0x7F, s14  }
0xf6: {  	v63 =	vadd.s32 v11, v14;
	[tilespmem:v17+s10+$0x0] =	vst.idx.msk $0xffff, v6;
	p2 =	slt.s32 s14, $0x1;
	p1 =	sne.s32 s15, $0x0;
	s15 =	sshra.s32 s14, $0x1F  }
0xf7: {  	[tilespmem:v15+s4+$0x0] =	vst.idx.msk $0xffff, v5;
	s15 =	sshrl.u32 s15, $0x19;
	p1 =	por !p2, !p1  }
0xf8: {  	[tilespmem:v15+s10+$0x0] =	vst.idx.msk $0xffff, v6;
	v15 =	vadd.s32 v12, v14;
	s14 =	sadd.s32 s15, s14;
	p1 =	por !p1, !p1;
	s15 =	simm.s32 $0x1  }
0xf9: {  	[tilespmem:v62+s4+$0x0] =	vst.idx.msk $0xffff, v5;
	s14 =	sshra.s32 s14, $0x7;
	s15 =	simm.s32 @!p1 $0x0  }
0xfa: {  	v14 =	vadd.s32 v13, v14;
	[tilespmem:v62+s10+$0x0] =	vst.idx.msk $0xffff, v6;
	s14 =	ssub.s32 s14, s15  }
0xfb: {  	[tilespmem:v63+s4+$0x0] =	vst.idx.msk $0xffff, v5;
	p1 =	slt.s32 s14, $0x1  }
.Ltmp11:
0xfc: {  	[tilespmem:v63+s10+$0x0] =	vst.idx.msk $0xffff, v6;
	(pc) =	sbr.rel @p1 .LBB2_20-.Ltmp11, $4  }
0xfd: {  	[tilespmem:v15+s4+$0x0] =	vst.idx.msk $0xffff, v5  }
0xfe: {  	[tilespmem:v15+s10+$0x0] =	vst.idx.msk $0xffff, v6  }
0xff: {  	[tilespmem:v14+s4+$0x0] =	vst.idx.msk $0xffff, v5  }
0x100: {  	[tilespmem:v14+s10+$0x0] =	vst.idx.msk $0xffff, v6  }
0x101: {  	p1 =	sne.s32 s14, $0x1  }
.Ltmp12:
0x102: {  	_ = 	snop;
	(pc) =	sbr.rel @!p1 .LBB2_17-.Ltmp12, $3  }
0x103: {  	_ =	sdelay $0x1  }
0x104: {  	[spmem:s1] =	stream.indirect.scatter.add.f32 [tilespmem:s10], [sflag:$0x4], $0x1, s4, s8, $0xb8;
	[tilespmem:$0x1E168] =	vst v63  }
0x105: {  	s15 =	sadd.s32 $0xFFFFFFFF, s14  }
.LBB2_16:
0x106: {  	p1 =	sne.s32 s15, $0x1  }
.Ltmp13:
0x107: {  	_ = 	snop;
	(pc) =	sbr.rel @p1 .LBB2_16-.Ltmp13, $4  }
0x108: {  	_ = 	snop  }
0x109: {  	s10 =	sadd.s32 $0x80, s10;
	s4 =	sadd.s32 $0x80, s4  }
0x10a: {  	s15 =	sadd.s32 $0xFFFFFFFF, s15  }
0x10b: {  	[spmem:s1] =	stream.indirect.scatter.add.f32 [tilespmem:s10], [sflag:$0x4], $0x1, s4, s8, $0xb8;
	[tilespmem:$0x1E168] =	vst v63  }
.LBB2_17:
0x10c: {  	p1 =	sne.s32 s14, $0x1  }
.Ltmp14:
0x10d: {  	_ = 	snop;
	(pc) =	sbr.rel @!p1 .LBB2_19-.Ltmp14, $3  }
0x10e: {  	_ =	sdelay $0x1  }
0x10f: {  	_ =	swait.ge [sflag:s9], $0x80  }
0x110: {  	s4 =	sadd.s32 $0xFFFFFFFF, s14;
	[sflag:s9] =	ssyncset.done $0x0  }
.LBB2_18:
0x111: {  	p1 =	sne.s32 s4, $0x1;
	s4 =	sadd.s32 $0xFFFFFFFF, s4;
	[sflag:s9] =	ssyncadd.s32 $0xFFFFFF80  }
.Ltmp15:
0x112: {  	(pc) =	sbr.rel @p1 .LBB2_18-.Ltmp15, $3  }
0x113: {  	_ =	sdelay $0x1  }
0x114: {  	_ =	swait.ge [sflag:s9], $0x80  }
0x115: {  	[sflag:s9] =	ssyncset.done $0x0  }
.Ltmp16:
0x116: {  	_ = 	snop;
	(pc) =	sbr.rel .LBB2_19-.Ltmp16, $1  }
0x117: {  	_ =	sdelay $0x3  }
.LBB2_9:
.Ltmp17:
0x118: {  	(pc) =	sbr.rel .LBB2_13-.Ltmp17, $2  }
0x119: {  	_ =	sdelay $0x2  }
0x11a: {  	s4 =	simm.s32 $0x4080  }
.LBB2_11:
.Ltmp18:
0x11b: {  	(pc) =	sbr.rel .LBB2_13-.Ltmp18, $2  }
0x11c: {  	_ =	sdelay $0x2  }
0x11d: {  	s4 =	simm.s32 $0x4080  }
.LBB2_22:
0x11e: {  	_ =	sfence.sel $0x180000  }
0x11f: {  	[bflag:$0x0] =	sbarrier.arrive $0xFFFF  }
0x120: {  	_ =	strace $0x9000004A  }
0x121: {  	s0 =	stileid.u32;
	[bflag:$0x2] =	sbarrier.arrive $0xFFFF  }
0x122: {  	p0 =	sne.s32 s0, $0x0;
	s0 =	rddreg [dreg:$0x2]  }
0x123: {  	s0 =	sadd.s32 @!p0 $0x100000, s0  }
0x124: {  	[sflag:s0] =	ssyncadd.tile.s32 @!p0 $0x1;
	_ =	shalt  }
.Lfunc_end2:
_tile_overlayer_lowered:
.L_overlay_start_2:
0x125: {  	(tag) =	ssettag $0x2  }
0x126: {  	s0 =	rddreg [dreg:$0x0];
	s2 =	stileid.u32  }
0x127: {  	s1 =	rddreg [dreg:$0x1];
	p0 =	sne.s32 s2, $0x0  }
0x128: {  	s3 =	rddreg [dreg:$0x2];
	[bflag:$0x3] =	sbarrier.arrive $0xFFFF;
	s2 =	simm.s32 @!p0 $0x1C05  }
0x129: {  	[timem:s3], [sflag:s2] =	dma.local @!p0 [hbm:s0], s1  }
0x12a: {  	s0 =	simm.s32 @!p0 $0x5  }
0x12b: {  	_ =	swait.ge @!p0 [sflag:s0], s1  }
0x12c: {  	s1 =	ssub.s32 @!p0 $0x0, s1;
	[sflag:s0] =	ssyncset.done @!p0 $0x0  }
0x12d: {  	[sflag:s0] =	ssyncadd.s32 @!p0 s1  }
0x12e: {  	[bflag:$0x3] =	sbarrier.arrive $0xFFFF  }
0x12f: {  	_ =	shalt  }

</sc_bundles>
